<compile_context>
chip_gen: v7x
topology: tpu7x:2x2x1
jax: 0.10.2.dev20260603
libtpu: 0.0.44.dev20260713+nightly
codegen_flags: <defaults>
</compile_context>

<pallas_src>
import jax
import jax.numpy as jnp
from jax import lax
from jax.experimental import pallas as pl
from jax.experimental.pallas import tpu as pltpu
from jax.experimental.pallas import tpu_sc as plsc

_LATENT = 64
_BATCH = 16384
_LANES = 16

_info = plsc.get_sparse_core_info()
_NC, _NS = _info.num_cores, _info.num_subcores
_NW = _NC * _NS
_B_PER_W = _BATCH // _NW
_GROUPS = _B_PER_W // _LANES


def _mf_body(u_hbm, i_hbm, u_emb_hbm, i_emb_hbm, out_hbm,
             uidx_v, iidx_v, urows_v, irows_v, tr_v, out_v, sem_u, sem_i):
    wid = lax.axis_index("s") * _NC + lax.axis_index("c")
    base = wid * _B_PER_W

    pltpu.sync_copy(u_hbm.at[pl.ds(base, _B_PER_W)], uidx_v)
    pltpu.sync_copy(i_hbm.at[pl.ds(base, _B_PER_W)], iidx_v)
    cu = pltpu.async_copy(u_emb_hbm.at[uidx_v], urows_v, sem_u)
    ci = pltpu.async_copy(i_emb_hbm.at[iidx_v], irows_v, sem_i)
    cu.wait()
    ci.wait()

    col_ids = lax.iota(jnp.int32, _LANES) * _LANES

    def group(g, carry):
        rbase = g * _LANES
        for r in range(_LANES):
            row = rbase + r
            p = jnp.zeros((_LANES,), jnp.float32)
            for c in range(_LATENT // _LANES):
                ue = urows_v[row, pl.ds(c * _LANES, _LANES)]
                ie = irows_v[row, pl.ds(c * _LANES, _LANES)]
                p = p + ue * ie
            plsc.store_scatter(tr_v, [col_ids + r], p)
        acc = tr_v[pl.ds(0, _LANES)]
        for l in range(1, _LANES):
            acc = acc + tr_v[pl.ds(l * _LANES, _LANES)]
        out_v[pl.ds(rbase, _LANES)] = acc
        return carry

    lax.fori_loop(0, _GROUPS, group, 0)
    pltpu.sync_copy(out_v, out_hbm.at[pl.ds(base, _B_PER_W)])


@jax.jit
def _mf(u, i, u_emb, i_emb):
    mesh = plsc.VectorSubcoreMesh(core_axis_name="c", subcore_axis_name="s")
    return pl.kernel(
        _mf_body,
        mesh=mesh,
        compiler_params=pltpu.CompilerParams(
            needs_layout_passes=False, use_tc_tiling_on_sc=False),
        out_type=jax.ShapeDtypeStruct((_BATCH,), jnp.float32),
        scratch_types=[
            pltpu.VMEM((_B_PER_W,), jnp.int32),
            pltpu.VMEM((_B_PER_W,), jnp.int32),
            pltpu.VMEM((_B_PER_W, _LATENT), jnp.float32),
            pltpu.VMEM((_B_PER_W, _LATENT), jnp.float32),
            pltpu.VMEM((_LANES * _LANES,), jnp.float32),
            pltpu.VMEM((_B_PER_W,), jnp.float32),
            pltpu.SemaphoreType.DMA,
            pltpu.SemaphoreType.DMA,
        ],
    )(u, i, u_emb, i_emb)


def kernel(u, i, u_emb, i_emb):
    return _mf(u, i, u_emb, i_emb)

# --- scband reference (transcript-rebuilt; emitter-appended) ---
"""Pipeline reference for scband-mf-12549894438932 (READ-ONLY COPY).

The authoritative reference and input builder live on the scoring server;
editing this copy changes nothing except your own understanding.
"""

import jax, jax.numpy as jnp
import numpy as np

N_USERS = 1000000
N_ITEMS = 1000000
LATENT_DIM = 64
BATCH = 16384

def setup_inputs(seed: int = 0) -> dict:
    key = jax.random.key(seed)
    k_u, k_i, k_ue, k_ie = jax.random.split(key, 4)
    u = jax.random.randint(k_u, (BATCH,), 0, N_USERS, dtype=jnp.int64 if jax.config.jax_enable_x64 else jnp.int32).astype(jnp.int32)
    i = jax.random.randint(k_i, (BATCH,), 0, N_ITEMS, dtype=jnp.int64 if jax.config.jax_enable_x64 else jnp.int32).astype(jnp.int32)
    u_emb = jax.random.normal(k_ue, (N_USERS, LATENT_DIM), dtype=jnp.float32)
    i_emb = jax.random.normal(k_ie, (N_ITEMS, LATENT_DIM), dtype=jnp.float32)
    return {"u": u, "i": i, "u_emb": u_emb, "i_emb": i_emb}

def reference(u, i, u_emb, i_emb):
    # Embedding lookups (gather rows) followed by elementwise product and row-sum
    ue = jnp.take(u_emb, u, axis=0)  # [B, D]
    ie = jnp.take(i_emb, i, axis=0)  # [B, D]
    return (ue * ie).sum(axis=1)     # [B]

if __name__ == "__main__":
    import jax
    _d = setup_inputs()
    print(jax.jit(kernel)(*tuple(_d.values())))

</pallas_src>

<mosaic_0001>
#map = affine_map<(d0, d1) -> (0)>
#map1 = affine_map<(d0, d1) -> (0, 0)>
module attributes {stable_mosaic.version = 14 : i64} {
  func.func @_mf_body(%arg0: i32, %arg1: i32, %arg2: memref<16384xi32, #tpu.memory_space<hbm>>, %arg3: memref<16384xi32, #tpu.memory_space<hbm>>, %arg4: memref<1000000x64xf32, #tpu.memory_space<hbm>>, %arg5: memref<1000000x64xf32, #tpu.memory_space<hbm>>, %arg6: memref<16384xf32, #tpu.memory_space<hbm>>, %arg7: memref<512xi32, #tpu.memory_space<vmem>>, %arg8: memref<512xi32, #tpu.memory_space<vmem>>, %arg9: memref<512x64xf32, #tpu.memory_space<vmem>>, %arg10: memref<512x64xf32, #tpu.memory_space<vmem>>, %arg11: memref<256xf32, #tpu.memory_space<vmem>>, %arg12: memref<512xf32, #tpu.memory_space<vmem>>, %arg13: memref<!tpu.dma_semaphore, #tpu.memory_space<semaphore_mem>>, %arg14: memref<!tpu.dma_semaphore, #tpu.memory_space<semaphore_mem>>) attributes {dimension_semantics = [#tpu.dimension_semantics<core_parallel>, #tpu.dimension_semantics<subcore_parallel>], iteration_bounds = array<i64: 2, 16>, scalar_prefetch = 0 : i64, scratch_operands = 8 : i64, tpu.core_type = #tpu.core_type<sc_vector_subcore>, window_params = [{transform_indices = #map}, {transform_indices = #map}, {transform_indices = #map1}, {transform_indices = #map1}, {transform_indices = #map}]} {
    %mul3A = arith.constant 2 : i32
    %mul3A_0 = arith.muli %arg1, %mul3A : i32
    %add3A = arith.addi %mul3A_0, %arg0 : i32
    %mul3A_1 = arith.constant 512 : i32
    %mul3A_2 = arith.muli %add3A, %mul3A_1 : i32
    "tpu.region"() ({
      %run_scoped3A = tpu.sem_alloc : memref<!tpu.dma_semaphore, #tpu.memory_space<semaphore_mem>>
      %dma_start3A_21 = tpu.memref_slice %arg2[%mul3A_2] : memref<16384xi32, #tpu.memory_space<hbm>> -> memref<512xi32, #tpu.memory_space<hbm>>
      %dma_start3A_22 = tpu.memref_slice %arg2[%mul3A_2] : memref<16384xi32, #tpu.memory_space<hbm>> -> memref<512xi32, #tpu.memory_space<hbm>>
      tpu.enqueue_dma source(%dma_start3A_22 : memref<512xi32, #tpu.memory_space<hbm>>) target(%arg7 : memref<512xi32, #tpu.memory_space<vmem>>) target_semaphore(%run_scoped3A : memref<!tpu.dma_semaphore, #tpu.memory_space<semaphore_mem>>)
      %dma_wait3A_23 = tpu.memref_slice %arg2[%mul3A_2] : memref<16384xi32, #tpu.memory_space<hbm>> -> memref<512xi32, #tpu.memory_space<hbm>>
      %dma_wait3A_24 = tpu.memref_slice %arg2[%mul3A_2] : memref<16384xi32, #tpu.memory_space<hbm>> -> memref<512xi32, #tpu.memory_space<hbm>>
      tpu.wait_dma2 semaphore(%run_scoped3A : memref<!tpu.dma_semaphore, #tpu.memory_space<semaphore_mem>>) src(%dma_wait3A_24 : memref<512xi32, #tpu.memory_space<hbm>>) dst(%arg7 : memref<512xi32, #tpu.memory_space<vmem>>)
      tpu.yield
    }) : () -> ()
    "tpu.region"() ({
      %run_scoped3A = tpu.sem_alloc : memref<!tpu.dma_semaphore, #tpu.memory_space<semaphore_mem>>
      %dma_start3A_21 = tpu.memref_slice %arg3[%mul3A_2] : memref<16384xi32, #tpu.memory_space<hbm>> -> memref<512xi32, #tpu.memory_space<hbm>>
      %dma_start3A_22 = tpu.memref_slice %arg3[%mul3A_2] : memref<16384xi32, #tpu.memory_space<hbm>> -> memref<512xi32, #tpu.memory_space<hbm>>
      tpu.enqueue_dma source(%dma_start3A_22 : memref<512xi32, #tpu.memory_space<hbm>>) target(%arg8 : memref<512xi32, #tpu.memory_space<vmem>>) target_semaphore(%run_scoped3A : memref<!tpu.dma_semaphore, #tpu.memory_space<semaphore_mem>>)
      %dma_wait3A_23 = tpu.memref_slice %arg3[%mul3A_2] : memref<16384xi32, #tpu.memory_space<hbm>> -> memref<512xi32, #tpu.memory_space<hbm>>
      %dma_wait3A_24 = tpu.memref_slice %arg3[%mul3A_2] : memref<16384xi32, #tpu.memory_space<hbm>> -> memref<512xi32, #tpu.memory_space<hbm>>
      tpu.wait_dma2 semaphore(%run_scoped3A : memref<!tpu.dma_semaphore, #tpu.memory_space<semaphore_mem>>) src(%dma_wait3A_24 : memref<512xi32, #tpu.memory_space<hbm>>) dst(%arg8 : memref<512xi32, #tpu.memory_space<vmem>>)
      tpu.yield
    }) : () -> ()
    %dma_start3A = arith.constant 0 : i32
    %dma_start3A_3 = arith.constant 0 : i32
    %dma_start3A_4 = tpu.memref_slice %arg4[%dma_start3A, %dma_start3A_3] : memref<1000000x64xf32, #tpu.memory_space<hbm>> -> memref<1000000x64xf32, #tpu.memory_space<hbm>>
    tpu.enqueue_indirect_dma source(%dma_start3A_4 : memref<1000000x64xf32, #tpu.memory_space<hbm>>) target(%arg9 : memref<512x64xf32, #tpu.memory_space<vmem>>) offsets(%arg7 : memref<512xi32, #tpu.memory_space<vmem>>) semaphore(%arg13 : memref<!tpu.dma_semaphore, #tpu.memory_space<semaphore_mem>>)
    %dma_start3A_5 = arith.constant 0 : i32
    %dma_start3A_6 = arith.constant 0 : i32
    %dma_start3A_7 = tpu.memref_slice %arg5[%dma_start3A_5, %dma_start3A_6] : memref<1000000x64xf32, #tpu.memory_space<hbm>> -> memref<1000000x64xf32, #tpu.memory_space<hbm>>
    tpu.enqueue_indirect_dma source(%dma_start3A_7 : memref<1000000x64xf32, #tpu.memory_space<hbm>>) target(%arg10 : memref<512x64xf32, #tpu.memory_space<vmem>>) offsets(%arg8 : memref<512xi32, #tpu.memory_space<vmem>>) semaphore(%arg14 : memref<!tpu.dma_semaphore, #tpu.memory_space<semaphore_mem>>)
    %dma_wait3A = arith.constant 0 : i32
    %dma_wait3A_8 = arith.constant 0 : i32
    %dma_wait3A_9 = tpu.memref_slice %arg4[%dma_wait3A, %dma_wait3A_8] : memref<1000000x64xf32, #tpu.memory_space<hbm>> -> memref<1000000x64xf32, #tpu.memory_space<hbm>>
    tpu.wait_indirect_dma semaphore(%arg13 : memref<!tpu.dma_semaphore, #tpu.memory_space<semaphore_mem>>) src(%dma_wait3A_9 : memref<1000000x64xf32, #tpu.memory_space<hbm>>) dst(%arg9 : memref<512x64xf32, #tpu.memory_space<vmem>>)
    %dma_wait3A_10 = arith.constant 0 : i32
    %dma_wait3A_11 = arith.constant 0 : i32
    %dma_wait3A_12 = tpu.memref_slice %arg5[%dma_wait3A_10, %dma_wait3A_11] : memref<1000000x64xf32, #tpu.memory_space<hbm>> -> memref<1000000x64xf32, #tpu.memory_space<hbm>>
    tpu.wait_indirect_dma semaphore(%arg14 : memref<!tpu.dma_semaphore, #tpu.memory_space<semaphore_mem>>) src(%dma_wait3A_12 : memref<1000000x64xf32, #tpu.memory_space<hbm>>) dst(%arg10 : memref<512x64xf32, #tpu.memory_space<vmem>>)
    %iota3A = tpu.iota {dimensions = array<i32: 0>} : vector<16xi32>
    %mul3A_13 = arith.constant 16 : i32
    %mul3A_14 = vector.broadcast %mul3A_13 : i32 to vector<16xi32>
    %mul3A_15 = arith.muli %iota3A, %mul3A_14 : vector<16xi32>
    %scan3A = arith.constant 0 : i32
    %scan3A_16 = arith.constant 0 : i32
    %scan3A_17 = arith.constant 32 : i32
    %scan3A_18 = arith.addi %scan3A_16, %scan3A_17 : i32
    %scan3A_19 = arith.constant 1 : i32
    scf.for %scan3A_21 = %scan3A_16 to %scan3A_18 step %scan3A_19  : i32 {
      %mul3A_22 = arith.constant 16 : i32
      %mul3A_23 = arith.muli %scan3A_21, %mul3A_22 : i32
      %add3A_24 = arith.constant 0 : i32
      %add3A_25 = arith.addi %mul3A_23, %add3A_24 : i32
      %broadcast_in_dim3A = arith.constant 0.000000e+00 : f32
      %broadcast_in_dim3A_26 = vector.broadcast %broadcast_in_dim3A : f32 to vector<16xf32>
      %get3A = arith.index_cast %add3A_25 : i32 to index
      %get3A_27 = arith.constant 0 : index
      %get3A_28 = tpu.vector_load %arg9[%get3A, %get3A_27] {strides = array<i32>} : memref<512x64xf32, #tpu.memory_space<vmem>>, vector<16xf32>,
      %get3A_29 = arith.index_cast %add3A_25 : i32 to index
      %get3A_30 = arith.constant 0 : index
      %get3A_31 = tpu.vector_load %arg10[%get3A_29, %get3A_30] {strides = array<i32>} : memref<512x64xf32, #tpu.memory_space<vmem>>, vector<16xf32>,
      %mul3A_32 = arith.mulf %get3A_28, %get3A_31 : vector<16xf32>
      %add3A_33 = arith.addf %broadcast_in_dim3A_26, %mul3A_32 : vector<16xf32>
      %get3A_34 = arith.index_cast %add3A_25 : i32 to index
      %get3A_35 = arith.constant 16 : index
      %get3A_36 = tpu.vector_load %arg9[%get3A_34, %get3A_35] {strides = array<i32>} : memref<512x64xf32, #tpu.memory_space<vmem>>, vector<16xf32>,
      %get3A_37 = arith.index_cast %add3A_25 : i32 to index
      %get3A_38 = arith.constant 16 : index
      %get3A_39 = tpu.vector_load %arg10[%get3A_37, %get3A_38] {strides = array<i32>} : memref<512x64xf32, #tpu.memory_space<vmem>>, vector<16xf32>,
      %mul3A_40 = arith.mulf %get3A_36, %get3A_39 : vector<16xf32>
      %add3A_41 = arith.addf %add3A_33, %mul3A_40 : vector<16xf32>
      %get3A_42 = arith.index_cast %add3A_25 : i32 to index
      %get3A_43 = arith.constant 32 : index
      %get3A_44 = tpu.vector_load %arg9[%get3A_42, %get3A_43] {strides = array<i32>} : memref<512x64xf32, #tpu.memory_space<vmem>>, vector<16xf32>,
      %get3A_45 = arith.index_cast %add3A_25 : i32 to index
      %get3A_46 = arith.constant 32 : index
      %get3A_47 = tpu.vector_load %arg10[%get3A_45, %get3A_46] {strides = array<i32>} : memref<512x64xf32, #tpu.memory_space<vmem>>, vector<16xf32>,
      %mul3A_48 = arith.mulf %get3A_44, %get3A_47 : vector<16xf32>
      %add3A_49 = arith.addf %add3A_41, %mul3A_48 : vector<16xf32>
      %get3A_50 = arith.index_cast %add3A_25 : i32 to index
      %get3A_51 = arith.constant 48 : index
      %get3A_52 = tpu.vector_load %arg9[%get3A_50, %get3A_51] {strides = array<i32>} : memref<512x64xf32, #tpu.memory_space<vmem>>, vector<16xf32>,
      %get3A_53 = arith.index_cast %add3A_25 : i32 to index
      %get3A_54 = arith.constant 48 : index
      %get3A_55 = tpu.vector_load %arg10[%get3A_53, %get3A_54] {strides = array<i32>} : memref<512x64xf32, #tpu.memory_space<vmem>>, vector<16xf32>,
      %mul3A_56 = arith.mulf %get3A_52, %get3A_55 : vector<16xf32>
      %add3A_57 = arith.addf %add3A_49, %mul3A_56 : vector<16xf32>
      %add3A_58 = arith.constant 0 : i32
      %add3A_59 = vector.broadcast %add3A_58 : i32 to vector<16xi32>
      %add3A_60 = arith.addi %mul3A_15, %add3A_59 : vector<16xi32>
      tpu.vector_store_idx %arg11[%add3A_60], %add3A_57 : memref<256xf32, #tpu.memory_space<vmem>>[vector<16xi32>], vector<16xf32>,
      %add3A_61 = arith.constant 1 : i32
      %add3A_62 = arith.addi %mul3A_23, %add3A_61 : i32
      %broadcast_in_dim3A_63 = arith.constant 0.000000e+00 : f32
      %broadcast_in_dim3A_64 = vector.broadcast %broadcast_in_dim3A_63 : f32 to vector<16xf32>
      %get3A_65 = arith.index_cast %add3A_62 : i32 to index
      %get3A_66 = arith.constant 0 : index
      %get3A_67 = tpu.vector_load %arg9[%get3A_65, %get3A_66] {strides = array<i32>} : memref<512x64xf32, #tpu.memory_space<vmem>>, vector<16xf32>,
      %get3A_68 = arith.index_cast %add3A_62 : i32 to index
      %get3A_69 = arith.constant 0 : index
      %get3A_70 = tpu.vector_load %arg10[%get3A_68, %get3A_69] {strides = array<i32>} : memref<512x64xf32, #tpu.memory_space<vmem>>, vector<16xf32>,
      %mul3A_71 = arith.mulf %get3A_67, %get3A_70 : vector<16xf32>
      %add3A_72 = arith.addf %broadcast_in_dim3A_64, %mul3A_71 : vector<16xf32>
      %get3A_73 = arith.index_cast %add3A_62 : i32 to index
      %get3A_74 = arith.constant 16 : index
      %get3A_75 = tpu.vector_load %arg9[%get3A_73, %get3A_74] {strides = array<i32>} : memref<512x64xf32, #tpu.memory_space<vmem>>, vector<16xf32>,
      %get3A_76 = arith.index_cast %add3A_62 : i32 to index
      %get3A_77 = arith.constant 16 : index
      %get3A_78 = tpu.vector_load %arg10[%get3A_76, %get3A_77] {strides = array<i32>} : memref<512x64xf32, #tpu.memory_space<vmem>>, vector<16xf32>,
      %mul3A_79 = arith.mulf %get3A_75, %get3A_78 : vector<16xf32>
      %add3A_80 = arith.addf %add3A_72, %mul3A_79 : vector<16xf32>
      %get3A_81 = arith.index_cast %add3A_62 : i32 to index
      %get3A_82 = arith.constant 32 : index
      %get3A_83 = tpu.vector_load %arg9[%get3A_81, %get3A_82] {strides = array<i32>} : memref<512x64xf32, #tpu.memory_space<vmem>>, vector<16xf32>,
      %get3A_84 = arith.index_cast %add3A_62 : i32 to index
      %get3A_85 = arith.constant 32 : index
      %get3A_86 = tpu.vector_load %arg10[%get3A_84, %get3A_85] {strides = array<i32>} : memref<512x64xf32, #tpu.memory_space<vmem>>, vector<16xf32>,
      %mul3A_87 = arith.mulf %get3A_83, %get3A_86 : vector<16xf32>
      %add3A_88 = arith.addf %add3A_80, %mul3A_87 : vector<16xf32>
      %get3A_89 = arith.index_cast %add3A_62 : i32 to index
      %get3A_90 = arith.constant 48 : index
      %get3A_91 = tpu.vector_load %arg9[%get3A_89, %get3A_90] {strides = array<i32>} : memref<512x64xf32, #tpu.memory_space<vmem>>, vector<16xf32>,
      %get3A_92 = arith.index_cast %add3A_62 : i32 to index
      %get3A_93 = arith.constant 48 : index
      %get3A_94 = tpu.vector_load %arg10[%get3A_92, %get3A_93] {strides = array<i32>} : memref<512x64xf32, #tpu.memory_space<vmem>>, vector<16xf32>,
      %mul3A_95 = arith.mulf %get3A_91, %get3A_94 : vector<16xf32>
      %add3A_96 = arith.addf %add3A_88, %mul3A_95 : vector<16xf32>
      %add3A_97 = arith.constant 1 : i32
      %add3A_98 = vector.broadcast %add3A_97 : i32 to vector<16xi32>
      %add3A_99 = arith.addi %mul3A_15, %add3A_98 : vector<16xi32>
      tpu.vector_store_idx %arg11[%add3A_99], %add3A_96 : memref<256xf32, #tpu.memory_space<vmem>>[vector<16xi32>], vector<16xf32>,
      %add3A_100 = arith.constant 2 : i32
      %add3A_101 = arith.addi %mul3A_23, %add3A_100 : i32
      %broadcast_in_dim3A_102 = arith.constant 0.000000e+00 : f32
      %broadcast_in_dim3A_103 = vector.broadcast %broadcast_in_dim3A_102 : f32 to vector<16xf32>
      %get3A_104 = arith.index_cast %add3A_101 : i32 to index
      %get3A_105 = arith.constant 0 : index
      %get3A_106 = tpu.vector_load %arg9[%get3A_104, %get3A_105] {strides = array<i32>} : memref<512x64xf32, #tpu.memory_space<vmem>>, vector<16xf32>,
      %get3A_107 = arith.index_cast %add3A_101 : i32 to index
      %get3A_108 = arith.constant 0 : index
      %get3A_109 = tpu.vector_load %arg10[%get3A_107, %get3A_108] {strides = array<i32>} : memref<512x64xf32, #tpu.memory_space<vmem>>, vector<16xf32>,
      %mul3A_110 = arith.mulf %get3A_106, %get3A_109 : vector<16xf32>
      %add3A_111 = arith.addf %broadcast_in_dim3A_103, %mul3A_110 : vector<16xf32>
      %get3A_112 = arith.index_cast %add3A_101 : i32 to index
      %get3A_113 = arith.constant 16 : index
      %get3A_114 = tpu.vector_load %arg9[%get3A_112, %get3A_113] {strides = array<i32>} : memref<512x64xf32, #tpu.memory_space<vmem>>, vector<16xf32>,
      %get3A_115 = arith.index_cast %add3A_101 : i32 to index
      %get3A_116 = arith.constant 16 : index
      %get3A_117 = tpu.vector_load %arg10[%get3A_115, %get3A_116] {strides = array<i32>} : memref<512x64xf32, #tpu.memory_space<vmem>>, vector<16xf32>,
      %mul3A_118 = arith.mulf %get3A_114, %get3A_117 : vector<16xf32>
      %add3A_119 = arith.addf %add3A_111, %mul3A_118 : vector<16xf32>
      %get3A_120 = arith.index_cast %add3A_101 : i32 to index
      %get3A_121 = arith.constant 32 : index
      %get3A_122 = tpu.vector_load %arg9[%get3A_120, %get3A_121] {strides = array<i32>} : memref<512x64xf32, #tpu.memory_space<vmem>>, vector<16xf32>,
      %get3A_123 = arith.index_cast %add3A_101 : i32 to index
      %get3A_124 = arith.constant 32 : index
      %get3A_125 = tpu.vector_load %arg10[%get3A_123, %get3A_124] {strides = array<i32>} : memref<512x64xf32, #tpu.memory_space<vmem>>, vector<16xf32>,
      %mul3A_126 = arith.mulf %get3A_122, %get3A_125 : vector<16xf32>
      %add3A_127 = arith.addf %add3A_119, %mul3A_126 : vector<16xf32>
      %get3A_128 = arith.index_cast %add3A_101 : i32 to index
      %get3A_129 = arith.constant 48 : index
      %get3A_130 = tpu.vector_load %arg9[%get3A_128, %get3A_129] {strides = array<i32>} : memref<512x64xf32, #tpu.memory_space<vmem>>, vector<16xf32>,
      %get3A_131 = arith.index_cast %add3A_101 : i32 to index
      %get3A_132 = arith.constant 48 : index
      %get3A_133 = tpu.vector_load %arg10[%get3A_131, %get3A_132] {strides = array<i32>} : memref<512x64xf32, #tpu.memory_space<vmem>>, vector<16xf32>,
      %mul3A_134 = arith.mulf %get3A_130, %get3A_133 : vector<16xf32>
      %add3A_135 = arith.addf %add3A_127, %mul3A_134 : vector<16xf32>
      %add3A_136 = arith.constant 2 : i32
      %add3A_137 = vector.broadcast %add3A_136 : i32 to vector<16xi32>
      %add3A_138 = arith.addi %mul3A_15, %add3A_137 : vector<16xi32>
      tpu.vector_store_idx %arg11[%add3A_138], %add3A_135 : memref<256xf32, #tpu.memory_space<vmem>>[vector<16xi32>], vector<16xf32>,
      %add3A_139 = arith.constant 3 : i32
      %add3A_140 = arith.addi %mul3A_23, %add3A_139 : i32
      %broadcast_in_dim3A_141 = arith.constant 0.000000e+00 : f32
      %broadcast_in_dim3A_142 = vector.broadcast %broadcast_in_dim3A_141 : f32 to vector<16xf32>
      %get3A_143 = arith.index_cast %add3A_140 : i32 to index
      %get3A_144 = arith.constant 0 : index
      %get3A_145 = tpu.vector_load %arg9[%get3A_143, %get3A_144] {strides = array<i32>} : memref<512x64xf32, #tpu.memory_space<vmem>>, vector<16xf32>,
      %get3A_146 = arith.index_cast %add3A_140 : i32 to index
      %get3A_147 = arith.constant 0 : index
      %get3A_148 = tpu.vector_load %arg10[%get3A_146, %get3A_147] {strides = array<i32>} : memref<512x64xf32, #tpu.memory_space<vmem>>, vector<16xf32>,
      %mul3A_149 = arith.mulf %get3A_145, %get3A_148 : vector<16xf32>
      %add3A_150 = arith.addf %broadcast_in_dim3A_142, %mul3A_149 : vector<16xf32>
      %get3A_151 = arith.index_cast %add3A_140 : i32 to index
      %get3A_152 = arith.constant 16 : index
      %get3A_153 = tpu.vector_load %arg9[%get3A_151, %get3A_152] {strides = array<i32>} : memref<512x64xf32, #tpu.memory_space<vmem>>, vector<16xf32>,
      %get3A_154 = arith.index_cast %add3A_140 : i32 to index
      %get3A_155 = arith.constant 16 : index
      %get3A_156 = tpu.vector_load %arg10[%get3A_154, %get3A_155] {strides = array<i32>} : memref<512x64xf32, #tpu.memory_space<vmem>>, vector<16xf32>,
      %mul3A_157 = arith.mulf %get3A_153, %get3A_156 : vector<16xf32>
      %add3A_158 = arith.addf %add3A_150, %mul3A_157 : vector<16xf32>
      %get3A_159 = arith.index_cast %add3A_140 : i32 to index
      %get3A_160 = arith.constant 32 : index
      %get3A_161 = tpu.vector_load %arg9[%get3A_159, %get3A_160] {strides = array<i32>} : memref<512x64xf32, #tpu.memory_space<vmem>>, vector<16xf32>,
      %get3A_162 = arith.index_cast %add3A_140 : i32 to index
      %get3A_163 = arith.constant 32 : index
      %get3A_164 = tpu.vector_load %arg10[%get3A_162, %get3A_163] {strides = array<i32>} : memref<512x64xf32, #tpu.memory_space<vmem>>, vector<16xf32>,
      %mul3A_165 = arith.mulf %get3A_161, %get3A_164 : vector<16xf32>
      %add3A_166 = arith.addf %add3A_158, %mul3A_165 : vector<16xf32>
      %get3A_167 = arith.index_cast %add3A_140 : i32 to index
      %get3A_168 = arith.constant 48 : index
      %get3A_169 = tpu.vector_load %arg9[%get3A_167, %get3A_168] {strides = array<i32>} : memref<512x64xf32, #tpu.memory_space<vmem>>, vector<16xf32>,
      %get3A_170 = arith.index_cast %add3A_140 : i32 to index
      %get3A_171 = arith.constant 48 : index
      %get3A_172 = tpu.vector_load %arg10[%get3A_170, %get3A_171] {strides = array<i32>} : memref<512x64xf32, #tpu.memory_space<vmem>>, vector<16xf32>,
      %mul3A_173 = arith.mulf %get3A_169, %get3A_172 : vector<16xf32>
      %add3A_174 = arith.addf %add3A_166, %mul3A_173 : vector<16xf32>
      %add3A_175 = arith.constant 3 : i32
      %add3A_176 = vector.broadcast %add3A_175 : i32 to vector<16xi32>
      %add3A_177 = arith.addi %mul3A_15, %add3A_176 : vector<16xi32>
      tpu.vector_store_idx %arg11[%add3A_177], %add3A_174 : memref<256xf32, #tpu.memory_space<vmem>>[vector<16xi32>], vector<16xf32>,
      %add3A_178 = arith.constant 4 : i32
      %add3A_179 = arith.addi %mul3A_23, %add3A_178 : i32
      %broadcast_in_dim3A_180 = arith.constant 0.000000e+00 : f32
      %broadcast_in_dim3A_181 = vector.broadcast %broadcast_in_dim3A_180 : f32 to vector<16xf32>
      %get3A_182 = arith.index_cast %add3A_179 : i32 to index
      %get3A_183 = arith.constant 0 : index
      %get3A_184 = tpu.vector_load %arg9[%get3A_182, %get3A_183] {strides = array<i32>} : memref<512x64xf32, #tpu.memory_space<vmem>>, vector<16xf32>,
      %get3A_185 = arith.index_cast %add3A_179 : i32 to index
      %get3A_186 = arith.constant 0 : index
      %get3A_187 = tpu.vector_load %arg10[%get3A_185, %get3A_186] {strides = array<i32>} : memref<512x64xf32, #tpu.memory_space<vmem>>, vector<16xf32>,
      %mul3A_188 = arith.mulf %get3A_184, %get3A_187 : vector<16xf32>
      %add3A_189 = arith.addf %broadcast_in_dim3A_181, %mul3A_188 : vector<16xf32>
      %get3A_190 = arith.index_cast %add3A_179 : i32 to index
      %get3A_191 = arith.constant 16 : index
      %get3A_192 = tpu.vector_load %arg9[%get3A_190, %get3A_191] {strides = array<i32>} : memref<512x64xf32, #tpu.memory_space<vmem>>, vector<16xf32>,
      %get3A_193 = arith.index_cast %add3A_179 : i32 to index
      %get3A_194 = arith.constant 16 : index
      %get3A_195 = tpu.vector_load %arg10[%get3A_193, %get3A_194] {strides = array<i32>} : memref<512x64xf32, #tpu.memory_space<vmem>>, vector<16xf32>,
      %mul3A_196 = arith.mulf %get3A_192, %get3A_195 : vector<16xf32>
      %add3A_197 = arith.addf %add3A_189, %mul3A_196 : vector<16xf32>
      %get3A_198 = arith.index_cast %add3A_179 : i32 to index
      %get3A_199 = arith.constant 32 : index
      %get3A_200 = tpu.vector_load %arg9[%get3A_198, %get3A_199] {strides = array<i32>} : memref<512x64xf32, #tpu.memory_space<vmem>>, vector<16xf32>,
      %get3A_201 = arith.index_cast %add3A_179 : i32 to index
      %get3A_202 = arith.constant 32 : index
      %get3A_203 = tpu.vector_load %arg10[%get3A_201, %get3A_202] {strides = array<i32>} : memref<512x64xf32, #tpu.memory_space<vmem>>, vector<16xf32>,
      %mul3A_204 = arith.mulf %get3A_200, %get3A_203 : vector<16xf32>
      %add3A_205 = arith.addf %add3A_197, %mul3A_204 : vector<16xf32>
      %get3A_206 = arith.index_cast %add3A_179 : i32 to index
      %get3A_207 = arith.constant 48 : index
      %get3A_208 = tpu.vector_load %arg9[%get3A_206, %get3A_207] {strides = array<i32>} : memref<512x64xf32, #tpu.memory_space<vmem>>, vector<16xf32>,
      %get3A_209 = arith.index_cast %add3A_179 : i32 to index
      %get3A_210 = arith.constant 48 : index
      %get3A_211 = tpu.vector_load %arg10[%get3A_209, %get3A_210] {strides = array<i32>} : memref<512x64xf32, #tpu.memory_space<vmem>>, vector<16xf32>,
      %mul3A_212 = arith.mulf %get3A_208, %get3A_211 : vector<16xf32>
      %add3A_213 = arith.addf %add3A_205, %mul3A_212 : vector<16xf32>
      %add3A_214 = arith.constant 4 : i32
      %add3A_215 = vector.broadcast %add3A_214 : i32 to vector<16xi32>
      %add3A_216 = arith.addi %mul3A_15, %add3A_215 : vector<16xi32>
      tpu.vector_store_idx %arg11[%add3A_216], %add3A_213 : memref<256xf32, #tpu.memory_space<vmem>>[vector<16xi32>], vector<16xf32>,
      %add3A_217 = arith.constant 5 : i32
      %add3A_218 = arith.addi %mul3A_23, %add3A_217 : i32
      %broadcast_in_dim3A_219 = arith.constant 0.000000e+00 : f32
      %broadcast_in_dim3A_220 = vector.broadcast %broadcast_in_dim3A_219 : f32 to vector<16xf32>
      %get3A_221 = arith.index_cast %add3A_218 : i32 to index
      %get3A_222 = arith.constant 0 : index
      %get3A_223 = tpu.vector_load %arg9[%get3A_221, %get3A_222] {strides = array<i32>} : memref<512x64xf32, #tpu.memory_space<vmem>>, vector<16xf32>,
      %get3A_224 = arith.index_cast %add3A_218 : i32 to index
      %get3A_225 = arith.constant 0 : index
      %get3A_226 = tpu.vector_load %arg10[%get3A_224, %get3A_225] {strides = array<i32>} : memref<512x64xf32, #tpu.memory_space<vmem>>, vector<16xf32>,
      %mul3A_227 = arith.mulf %get3A_223, %get3A_226 : vector<16xf32>
      %add3A_228 = arith.addf %broadcast_in_dim3A_220, %mul3A_227 : vector<16xf32>
      %get3A_229 = arith.index_cast %add3A_218 : i32 to index
      %get3A_230 = arith.constant 16 : index
      %get3A_231 = tpu.vector_load %arg9[%get3A_229, %get3A_230] {strides = array<i32>} : memref<512x64xf32, #tpu.memory_space<vmem>>, vector<16xf32>,
      %get3A_232 = arith.index_cast %add3A_218 : i32 to index
      %get3A_233 = arith.constant 16 : index
      %get3A_234 = tpu.vector_load %arg10[%get3A_232, %get3A_233] {strides = array<i32>} : memref<512x64xf32, #tpu.memory_space<vmem>>, vector<16xf32>,
      %mul3A_235 = arith.mulf %get3A_231, %get3A_234 : vector<16xf32>
      %add3A_236 = arith.addf %add3A_228, %mul3A_235 : vector<16xf32>
      %get3A_237 = arith.index_cast %add3A_218 : i32 to index
      %get3A_238 = arith.constant 32 : index
      %get3A_239 = tpu.vector_load %arg9[%get3A_237, %get3A_238] {strides = array<i32>} : memref<512x64xf32, #tpu.memory_space<vmem>>, vector<16xf32>,
      %get3A_240 = arith.index_cast %add3A_218 : i32 to index
      %get3A_241 = arith.constant 32 : index
      %get3A_242 = tpu.vector_load %arg10[%get3A_240, %get3A_241] {strides = array<i32>} : memref<512x64xf32, #tpu.memory_space<vmem>>, vector<16xf32>,
      %mul3A_243 = arith.mulf %get3A_239, %get3A_242 : vector<16xf32>
      %add3A_244 = arith.addf %add3A_236, %mul3A_243 : vector<16xf32>
      %get3A_245 = arith.index_cast %add3A_218 : i32 to index
      %get3A_246 = arith.constant 48 : index
      %get3A_247 = tpu.vector_load %arg9[%get3A_245, %get3A_246] {strides = array<i32>} : memref<512x64xf32, #tpu.memory_space<vmem>>, vector<16xf32>,
      %get3A_248 = arith.index_cast %add3A_218 : i32 to index
      %get3A_249 = arith.constant 48 : index
      %get3A_250 = tpu.vector_load %arg10[%get3A_248, %get3A_249] {strides = array<i32>} : memref<512x64xf32, #tpu.memory_space<vmem>>, vector<16xf32>,
      %mul3A_251 = arith.mulf %get3A_247, %get3A_250 : vector<16xf32>
      %add3A_252 = arith.addf %add3A_244, %mul3A_251 : vector<16xf32>
      %add3A_253 = arith.constant 5 : i32
      %add3A_254 = vector.broadcast %add3A_253 : i32 to vector<16xi32>
      %add3A_255 = arith.addi %mul3A_15, %add3A_254 : vector<16xi32>
      tpu.vector_store_idx %arg11[%add3A_255], %add3A_252 : memref<256xf32, #tpu.memory_space<vmem>>[vector<16xi32>], vector<16xf32>,
      %add3A_256 = arith.constant 6 : i32
      %add3A_257 = arith.addi %mul3A_23, %add3A_256 : i32
      %broadcast_in_dim3A_258 = arith.constant 0.000000e+00 : f32
      %broadcast_in_dim3A_259 = vector.broadcast %broadcast_in_dim3A_258 : f32 to vector<16xf32>
      %get3A_260 = arith.index_cast %add3A_257 : i32 to index
      %get3A_261 = arith.constant 0 : index
      %get3A_262 = tpu.vector_load %arg9[%get3A_260, %get3A_261] {strides = array<i32>} : memref<512x64xf32, #tpu.memory_space<vmem>>, vector<16xf32>,
      %get3A_263 = arith.index_cast %add3A_257 : i32 to index
      %get3A_264 = arith.constant 0 : index
      %get3A_265 = tpu.vector_load %arg10[%get3A_263, %get3A_264] {strides = array<i32>} : memref<512x64xf32, #tpu.memory_space<vmem>>, vector<16xf32>,
      %mul3A_266 = arith.mulf %get3A_262, %get3A_265 : vector<16xf32>
      %add3A_267 = arith.addf %broadcast_in_dim3A_259, %mul3A_266 : vector<16xf32>
      %get3A_268 = arith.index_cast %add3A_257 : i32 to index
      %get3A_269 = arith.constant 16 : index
      %get3A_270 = tpu.vector_load %arg9[%get3A_268, %get3A_269] {strides = array<i32>} : memref<512x64xf32, #tpu.memory_space<vmem>>, vector<16xf32>,
      %get3A_271 = arith.index_cast %add3A_257 : i32 to index
      %get3A_272 = arith.constant 16 : index
      %get3A_273 = tpu.vector_load %arg10[%get3A_271, %get3A_272] {strides = array<i32>} : memref<512x64xf32, #tpu.memory_space<vmem>>, vector<16xf32>,
      %mul3A_274 = arith.mulf %get3A_270, %get3A_273 : vector<16xf32>
      %add3A_275 = arith.addf %add3A_267, %mul3A_274 : vector<16xf32>
      %get3A_276 = arith.index_cast %add3A_257 : i32 to index
      %get3A_277 = arith.constant 32 : index
      %get3A_278 = tpu.vector_load %arg9[%get3A_276, %get3A_277] {strides = array<i32>} : memref<512x64xf32, #tpu.memory_space<vmem>>, vector<16xf32>,
      %get3A_279 = arith.index_cast %add3A_257 : i32 to index
      %get3A_280 = arith.constant 32 : index
      %get3A_281 = tpu.vector_load %arg10[%get3A_279, %get3A_280] {strides = array<i32>} : memref<512x64xf32, #tpu.memory_space<vmem>>, vector<16xf32>,
      %mul3A_282 = arith.mulf %get3A_278, %get3A_281 : vector<16xf32>
      %add3A_283 = arith.addf %add3A_275, %mul3A_282 : vector<16xf32>
      %get3A_284 = arith.index_cast %add3A_257 : i32 to index
      %get3A_285 = arith.constant 48 : index
      %get3A_286 = tpu.vector_load %arg9[%get3A_284, %get3A_285] {strides = array<i32>} : memref<512x64xf32, #tpu.memory_space<vmem>>, vector<16xf32>,
      %get3A_287 = arith.index_cast %add3A_257 : i32 to index
      %get3A_288 = arith.constant 48 : index
      %get3A_289 = tpu.vector_load %arg10[%get3A_287, %get3A_288] {strides = array<i32>} : memref<512x64xf32, #tpu.memory_space<vmem>>, vector<16xf32>,
      %mul3A_290 = arith.mulf %get3A_286, %get3A_289 : vector<16xf32>
      %add3A_291 = arith.addf %add3A_283, %mul3A_290 : vector<16xf32>
      %add3A_292 = arith.constant 6 : i32
      %add3A_293 = vector.broadcast %add3A_292 : i32 to vector<16xi32>
      %add3A_294 = arith.addi %mul3A_15, %add3A_293 : vector<16xi32>
      tpu.vector_store_idx %arg11[%add3A_294], %add3A_291 : memref<256xf32, #tpu.memory_space<vmem>>[vector<16xi32>], vector<16xf32>,
      %add3A_295 = arith.constant 7 : i32
      %add3A_296 = arith.addi %mul3A_23, %add3A_295 : i32
      %broadcast_in_dim3A_297 = arith.constant 0.000000e+00 : f32
      %broadcast_in_dim3A_298 = vector.broadcast %broadcast_in_dim3A_297 : f32 to vector<16xf32>
      %get3A_299 = arith.index_cast %add3A_296 : i32 to index
      %get3A_300 = arith.constant 0 : index
      %get3A_301 = tpu.vector_load %arg9[%get3A_299, %get3A_300] {strides = array<i32>} : memref<512x64xf32, #tpu.memory_space<vmem>>, vector<16xf32>,
      %get3A_302 = arith.index_cast %add3A_296 : i32 to index
      %get3A_303 = arith.constant 0 : index
      %get3A_304 = tpu.vector_load %arg10[%get3A_302, %get3A_303] {strides = array<i32>} : memref<512x64xf32, #tpu.memory_space<vmem>>, vector<16xf32>,
      %mul3A_305 = arith.mulf %get3A_301, %get3A_304 : vector<16xf32>
      %add3A_306 = arith.addf %broadcast_in_dim3A_298, %mul3A_305 : vector<16xf32>
      %get3A_307 = arith.index_cast %add3A_296 : i32 to index
      %get3A_308 = arith.constant 16 : index
      %get3A_309 = tpu.vector_load %arg9[%get3A_307, %get3A_308] {strides = array<i32>} : memref<512x64xf32, #tpu.memory_space<vmem>>, vector<16xf32>,
      %get3A_310 = arith.index_cast %add3A_296 : i32 to index
      %get3A_311 = arith.constant 16 : index
      %get3A_312 = tpu.vector_load %arg10[%get3A_310, %get3A_311] {strides = array<i32>} : memref<512x64xf32, #tpu.memory_space<vmem>>, vector<16xf32>,
      %mul3A_313 = arith.mulf %get3A_309, %get3A_312 : vector<16xf32>
      %add3A_314 = arith.addf %add3A_306, %mul3A_313 : vector<16xf32>
      %get3A_315 = arith.index_cast %add3A_296 : i32 to index
      %get3A_316 = arith.constant 32 : index
      %get3A_317 = tpu.vector_load %arg9[%get3A_315, %get3A_316] {strides = array<i32>} : memref<512x64xf32, #tpu.memory_space<vmem>>, vector<16xf32>,
      %get3A_318 = arith.index_cast %add3A_296 : i32 to index
      %get3A_319 = arith.constant 32 : index
      %get3A_320 = tpu.vector_load %arg10[%get3A_318, %get3A_319] {strides = array<i32>} : memref<512x64xf32, #tpu.memory_space<vmem>>, vector<16xf32>,
      %mul3A_321 = arith.mulf %get3A_317, %get3A_320 : vector<16xf32>
      %add3A_322 = arith.addf %add3A_314, %mul3A_321 : vector<16xf32>
      %get3A_323 = arith.index_cast %add3A_296 : i32 to index
      %get3A_324 = arith.constant 48 : index
      %get3A_325 = tpu.vector_load %arg9[%get3A_323, %get3A_324] {strides = array<i32>} : memref<512x64xf32, #tpu.memory_space<vmem>>, vector<16xf32>,
      %get3A_326 = arith.index_cast %add3A_296 : i32 to index
      %get3A_327 = arith.constant 48 : index
      %get3A_328 = tpu.vector_load %arg10[%get3A_326, %get3A_327] {strides = array<i32>} : memref<512x64xf32, #tpu.memory_space<vmem>>, vector<16xf32>,
      %mul3A_329 = arith.mulf %get3A_325, %get3A_328 : vector<16xf32>
      %add3A_330 = arith.addf %add3A_322, %mul3A_329 : vector<16xf32>
      %add3A_331 = arith.constant 7 : i32
      %add3A_332 = vector.broadcast %add3A_331 : i32 to vector<16xi32>
      %add3A_333 = arith.addi %mul3A_15, %add3A_332 : vector<16xi32>
      tpu.vector_store_idx %arg11[%add3A_333], %add3A_330 : memref<256xf32, #tpu.memory_space<vmem>>[vector<16xi32>], vector<16xf32>,
      %add3A_334 = arith.constant 8 : i32
      %add3A_335 = arith.addi %mul3A_23, %add3A_334 : i32
      %broadcast_in_dim3A_336 = arith.constant 0.000000e+00 : f32
      %broadcast_in_dim3A_337 = vector.broadcast %broadcast_in_dim3A_336 : f32 to vector<16xf32>
      %get3A_338 = arith.index_cast %add3A_335 : i32 to index
      %get3A_339 = arith.constant 0 : index
      %get3A_340 = tpu.vector_load %arg9[%get3A_338, %get3A_339] {strides = array<i32>} : memref<512x64xf32, #tpu.memory_space<vmem>>, vector<16xf32>,
      %get3A_341 = arith.index_cast %add3A_335 : i32 to index
      %get3A_342 = arith.constant 0 : index
      %get3A_343 = tpu.vector_load %arg10[%get3A_341, %get3A_342] {strides = array<i32>} : memref<512x64xf32, #tpu.memory_space<vmem>>, vector<16xf32>,
      %mul3A_344 = arith.mulf %get3A_340, %get3A_343 : vector<16xf32>
      %add3A_345 = arith.addf %broadcast_in_dim3A_337, %mul3A_344 : vector<16xf32>
      %get3A_346 = arith.index_cast %add3A_335 : i32 to index
      %get3A_347 = arith.constant 16 : index
      %get3A_348 = tpu.vector_load %arg9[%get3A_346, %get3A_347] {strides = array<i32>} : memref<512x64xf32, #tpu.memory_space<vmem>>, vector<16xf32>,
      %get3A_349 = arith.index_cast %add3A_335 : i32 to index
      %get3A_350 = arith.constant 16 : index
      %get3A_351 = tpu.vector_load %arg10[%get3A_349, %get3A_350] {strides = array<i32>} : memref<512x64xf32, #tpu.memory_space<vmem>>, vector<16xf32>,
      %mul3A_352 = arith.mulf %get3A_348, %get3A_351 : vector<16xf32>
      %add3A_353 = arith.addf %add3A_345, %mul3A_352 : vector<16xf32>
      %get3A_354 = arith.index_cast %add3A_335 : i32 to index
      %get3A_355 = arith.constant 32 : index
      %get3A_356 = tpu.vector_load %arg9[%get3A_354, %get3A_355] {strides = array<i32>} : memref<512x64xf32, #tpu.memory_space<vmem>>, vector<16xf32>,
      %get3A_357 = arith.index_cast %add3A_335 : i32 to index
      %get3A_358 = arith.constant 32 : index
      %get3A_359 = tpu.vector_load %arg10[%get3A_357, %get3A_358] {strides = array<i32>} : memref<512x64xf32, #tpu.memory_space<vmem>>, vector<16xf32>,
      %mul3A_360 = arith.mulf %get3A_356, %get3A_359 : vector<16xf32>
      %add3A_361 = arith.addf %add3A_353, %mul3A_360 : vector<16xf32>
      %get3A_362 = arith.index_cast %add3A_335 : i32 to index
      %get3A_363 = arith.constant 48 : index
      %get3A_364 = tpu.vector_load %arg9[%get3A_362, %get3A_363] {strides = array<i32>} : memref<512x64xf32, #tpu.memory_space<vmem>>, vector<16xf32>,
      %get3A_365 = arith.index_cast %add3A_335 : i32 to index
      %get3A_366 = arith.constant 48 : index
      %get3A_367 = tpu.vector_load %arg10[%get3A_365, %get3A_366] {strides = array<i32>} : memref<512x64xf32, #tpu.memory_space<vmem>>, vector<16xf32>,
      %mul3A_368 = arith.mulf %get3A_364, %get3A_367 : vector<16xf32>
      %add3A_369 = arith.addf %add3A_361, %mul3A_368 : vector<16xf32>
      %add3A_370 = arith.constant 8 : i32
      %add3A_371 = vector.broadcast %add3A_370 : i32 to vector<16xi32>
      %add3A_372 = arith.addi %mul3A_15, %add3A_371 : vector<16xi32>
      tpu.vector_store_idx %arg11[%add3A_372], %add3A_369 : memref<256xf32, #tpu.memory_space<vmem>>[vector<16xi32>], vector<16xf32>,
      %add3A_373 = arith.constant 9 : i32
      %add3A_374 = arith.addi %mul3A_23, %add3A_373 : i32
      %broadcast_in_dim3A_375 = arith.constant 0.000000e+00 : f32
      %broadcast_in_dim3A_376 = vector.broadcast %broadcast_in_dim3A_375 : f32 to vector<16xf32>
      %get3A_377 = arith.index_cast %add3A_374 : i32 to index
      %get3A_378 = arith.constant 0 : index
      %get3A_379 = tpu.vector_load %arg9[%get3A_377, %get3A_378] {strides = array<i32>} : memref<512x64xf32, #tpu.memory_space<vmem>>, vector<16xf32>,
      %get3A_380 = arith.index_cast %add3A_374 : i32 to index
      %get3A_381 = arith.constant 0 : index
      %get3A_382 = tpu.vector_load %arg10[%get3A_380, %get3A_381] {strides = array<i32>} : memref<512x64xf32, #tpu.memory_space<vmem>>, vector<16xf32>,
      %mul3A_383 = arith.mulf %get3A_379, %get3A_382 : vector<16xf32>
      %add3A_384 = arith.addf %broadcast_in_dim3A_376, %mul3A_383 : vector<16xf32>
      %get3A_385 = arith.index_cast %add3A_374 : i32 to index
      %get3A_386 = arith.constant 16 : index
      %get3A_387 = tpu.vector_load %arg9[%get3A_385, %get3A_386] {strides = array<i32>} : memref<512x64xf32, #tpu.memory_space<vmem>>, vector<16xf32>,
      %get3A_388 = arith.index_cast %add3A_374 : i32 to index
      %get3A_389 = arith.constant 16 : index
      %get3A_390 = tpu.vector_load %arg10[%get3A_388, %get3A_389] {strides = array<i32>} : memref<512x64xf32, #tpu.memory_space<vmem>>, vector<16xf32>,
      %mul3A_391 = arith.mulf %get3A_387, %get3A_390 : vector<16xf32>
      %add3A_392 = arith.addf %add3A_384, %mul3A_391 : vector<16xf32>
      %get3A_393 = arith.index_cast %add3A_374 : i32 to index
      %get3A_394 = arith.constant 32 : index
      %get3A_395 = tpu.vector_load %arg9[%get3A_393, %get3A_394] {strides = array<i32>} : memref<512x64xf32, #tpu.memory_space<vmem>>, vector<16xf32>,
      %get3A_396 = arith.index_cast %add3A_374 : i32 to index
      %get3A_397 = arith.constant 32 : index
      %get3A_398 = tpu.vector_load %arg10[%get3A_396, %get3A_397] {strides = array<i32>} : memref<512x64xf32, #tpu.memory_space<vmem>>, vector<16xf32>,
      %mul3A_399 = arith.mulf %get3A_395, %get3A_398 : vector<16xf32>
      %add3A_400 = arith.addf %add3A_392, %mul3A_399 : vector<16xf32>
      %get3A_401 = arith.index_cast %add3A_374 : i32 to index
      %get3A_402 = arith.constant 48 : index
      %get3A_403 = tpu.vector_load %arg9[%get3A_401, %get3A_402] {strides = array<i32>} : memref<512x64xf32, #tpu.memory_space<vmem>>, vector<16xf32>,
      %get3A_404 = arith.index_cast %add3A_374 : i32 to index
      %get3A_405 = arith.constant 48 : index
      %get3A_406 = tpu.vector_load %arg10[%get3A_404, %get3A_405] {strides = array<i32>} : memref<512x64xf32, #tpu.memory_space<vmem>>, vector<16xf32>,
      %mul3A_407 = arith.mulf %get3A_403, %get3A_406 : vector<16xf32>
      %add3A_408 = arith.addf %add3A_400, %mul3A_407 : vector<16xf32>
      %add3A_409 = arith.constant 9 : i32
      %add3A_410 = vector.broadcast %add3A_409 : i32 to vector<16xi32>
      %add3A_411 = arith.addi %mul3A_15, %add3A_410 : vector<16xi32>
      tpu.vector_store_idx %arg11[%add3A_411], %add3A_408 : memref<256xf32, #tpu.memory_space<vmem>>[vector<16xi32>], vector<16xf32>,
      %add3A_412 = arith.constant 10 : i32
      %add3A_413 = arith.addi %mul3A_23, %add3A_412 : i32
      %broadcast_in_dim3A_414 = arith.constant 0.000000e+00 : f32
      %broadcast_in_dim3A_415 = vector.broadcast %broadcast_in_dim3A_414 : f32 to vector<16xf32>
      %get3A_416 = arith.index_cast %add3A_413 : i32 to index
      %get3A_417 = arith.constant 0 : index
      %get3A_418 = tpu.vector_load %arg9[%get3A_416, %get3A_417] {strides = array<i32>} : memref<512x64xf32, #tpu.memory_space<vmem>>, vector<16xf32>,
      %get3A_419 = arith.index_cast %add3A_413 : i32 to index
      %get3A_420 = arith.constant 0 : index
      %get3A_421 = tpu.vector_load %arg10[%get3A_419, %get3A_420] {strides = array<i32>} : memref<512x64xf32, #tpu.memory_space<vmem>>, vector<16xf32>,
      %mul3A_422 = arith.mulf %get3A_418, %get3A_421 : vector<16xf32>
      %add3A_423 = arith.addf %broadcast_in_dim3A_415, %mul3A_422 : vector<16xf32>
      %get3A_424 = arith.index_cast %add3A_413 : i32 to index
      %get3A_425 = arith.constant 16 : index
      %get3A_426 = tpu.vector_load %arg9[%get3A_424, %get3A_425] {strides = array<i32>} : memref<512x64xf32, #tpu.memory_space<vmem>>, vector<16xf32>,
      %get3A_427 = arith.index_cast %add3A_413 : i32 to index
      %get3A_428 = arith.constant 16 : index
      %get3A_429 = tpu.vector_load %arg10[%get3A_427, %get3A_428] {strides = array<i32>} : memref<512x64xf32, #tpu.memory_space<vmem>>, vector<16xf32>,
      %mul3A_430 = arith.mulf %get3A_426, %get3A_429 : vector<16xf32>
      %add3A_431 = arith.addf %add3A_423, %mul3A_430 : vector<16xf32>
      %get3A_432 = arith.index_cast %add3A_413 : i32 to index
      %get3A_433 = arith.constant 32 : index
      %get3A_434 = tpu.vector_load %arg9[%get3A_432, %get3A_433] {strides = array<i32>} : memref<512x64xf32, #tpu.memory_space<vmem>>, vector<16xf32>,
      %get3A_435 = arith.index_cast %add3A_413 : i32 to index
      %get3A_436 = arith.constant 32 : index
      %get3A_437 = tpu.vector_load %arg10[%get3A_435, %get3A_436] {strides = array<i32>} : memref<512x64xf32, #tpu.memory_space<vmem>>, vector<16xf32>,
      %mul3A_438 = arith.mulf %get3A_434, %get3A_437 : vector<16xf32>
      %add3A_439 = arith.addf %add3A_431, %mul3A_438 : vector<16xf32>
      %get3A_440 = arith.index_cast %add3A_413 : i32 to index
      %get3A_441 = arith.constant 48 : index
      %get3A_442 = tpu.vector_load %arg9[%get3A_440, %get3A_441] {strides = array<i32>} : memref<512x64xf32, #tpu.memory_space<vmem>>, vector<16xf32>,
      %get3A_443 = arith.index_cast %add3A_413 : i32 to index
      %get3A_444 = arith.constant 48 : index
      %get3A_445 = tpu.vector_load %arg10[%get3A_443, %get3A_444] {strides = array<i32>} : memref<512x64xf32, #tpu.memory_space<vmem>>, vector<16xf32>,
      %mul3A_446 = arith.mulf %get3A_442, %get3A_445 : vector<16xf32>
      %add3A_447 = arith.addf %add3A_439, %mul3A_446 : vector<16xf32>
      %add3A_448 = arith.constant 10 : i32
      %add3A_449 = vector.broadcast %add3A_448 : i32 to vector<16xi32>
      %add3A_450 = arith.addi %mul3A_15, %add3A_449 : vector<16xi32>
      tpu.vector_store_idx %arg11[%add3A_450], %add3A_447 : memref<256xf32, #tpu.memory_space<vmem>>[vector<16xi32>], vector<16xf32>,
      %add3A_451 = arith.constant 11 : i32
      %add3A_452 = arith.addi %mul3A_23, %add3A_451 : i32
      %broadcast_in_dim3A_453 = arith.constant 0.000000e+00 : f32
      %broadcast_in_dim3A_454 = vector.broadcast %broadcast_in_dim3A_453 : f32 to vector<16xf32>
      %get3A_455 = arith.index_cast %add3A_452 : i32 to index
      %get3A_456 = arith.constant 0 : index
      %get3A_457 = tpu.vector_load %arg9[%get3A_455, %get3A_456] {strides = array<i32>} : memref<512x64xf32, #tpu.memory_space<vmem>>, vector<16xf32>,
      %get3A_458 = arith.index_cast %add3A_452 : i32 to index
      %get3A_459 = arith.constant 0 : index
      %get3A_460 = tpu.vector_load %arg10[%get3A_458, %get3A_459] {strides = array<i32>} : memref<512x64xf32, #tpu.memory_space<vmem>>, vector<16xf32>,
      %mul3A_461 = arith.mulf %get3A_457, %get3A_460 : vector<16xf32>
      %add3A_462 = arith.addf %broadcast_in_dim3A_454, %mul3A_461 : vector<16xf32>
      %get3A_463 = arith.index_cast %add3A_452 : i32 to index
      %get3A_464 = arith.constant 16 : index
      %get3A_465 = tpu.vector_load %arg9[%get3A_463, %get3A_464] {strides = array<i32>} : memref<512x64xf32, #tpu.memory_space<vmem>>, vector<16xf32>,
      %get3A_466 = arith.index_cast %add3A_452 : i32 to index
      %get3A_467 = arith.constant 16 : index
      %get3A_468 = tpu.vector_load %arg10[%get3A_466, %get3A_467] {strides = array<i32>} : memref<512x64xf32, #tpu.memory_space<vmem>>, vector<16xf32>,
      %mul3A_469 = arith.mulf %get3A_465, %get3A_468 : vector<16xf32>
      %add3A_470 = arith.addf %add3A_462, %mul3A_469 : vector<16xf32>
      %get3A_471 = arith.index_cast %add3A_452 : i32 to index
      %get3A_472 = arith.constant 32 : index
      %get3A_473 = tpu.vector_load %arg9[%get3A_471, %get3A_472] {strides = array<i32>} : memref<512x64xf32, #tpu.memory_space<vmem>>, vector<16xf32>,
      %get3A_474 = arith.index_cast %add3A_452 : i32 to index
      %get3A_475 = arith.constant 32 : index
      %get3A_476 = tpu.vector_load %arg10[%get3A_474, %get3A_475] {strides = array<i32>} : memref<512x64xf32, #tpu.memory_space<vmem>>, vector<16xf32>,
      %mul3A_477 = arith.mulf %get3A_473, %get3A_476 : vector<16xf32>
      %add3A_478 = arith.addf %add3A_470, %mul3A_477 : vector<16xf32>
      %get3A_479 = arith.index_cast %add3A_452 : i32 to index
      %get3A_480 = arith.constant 48 : index
      %get3A_481 = tpu.vector_load %arg9[%get3A_479, %get3A_480] {strides = array<i32>} : memref<512x64xf32, #tpu.memory_space<vmem>>, vector<16xf32>,
      %get3A_482 = arith.index_cast %add3A_452 : i32 to index
      %get3A_483 = arith.constant 48 : index
      %get3A_484 = tpu.vector_load %arg10[%get3A_482, %get3A_483] {strides = array<i32>} : memref<512x64xf32, #tpu.memory_space<vmem>>, vector<16xf32>,
      %mul3A_485 = arith.mulf %get3A_481, %get3A_484 : vector<16xf32>
      %add3A_486 = arith.addf %add3A_478, %mul3A_485 : vector<16xf32>
      %add3A_487 = arith.constant 11 : i32
      %add3A_488 = vector.broadcast %add3A_487 : i32 to vector<16xi32>
      %add3A_489 = arith.addi %mul3A_15, %add3A_488 : vector<16xi32>
      tpu.vector_store_idx %arg11[%add3A_489], %add3A_486 : memref<256xf32, #tpu.memory_space<vmem>>[vector<16xi32>], vector<16xf32>,
      %add3A_490 = arith.constant 12 : i32
      %add3A_491 = arith.addi %mul3A_23, %add3A_490 : i32
      %broadcast_in_dim3A_492 = arith.constant 0.000000e+00 : f32
      %broadcast_in_dim3A_493 = vector.broadcast %broadcast_in_dim3A_492 : f32 to vector<16xf32>
      %get3A_494 = arith.index_cast %add3A_491 : i32 to index
      %get3A_495 = arith.constant 0 : index
      %get3A_496 = tpu.vector_load %arg9[%get3A_494, %get3A_495] {strides = array<i32>} : memref<512x64xf32, #tpu.memory_space<vmem>>, vector<16xf32>,
      %get3A_497 = arith.index_cast %add3A_491 : i32 to index
      %get3A_498 = arith.constant 0 : index
      %get3A_499 = tpu.vector_load %arg10[%get3A_497, %get3A_498] {strides = array<i32>} : memref<512x64xf32, #tpu.memory_space<vmem>>, vector<16xf32>,
      %mul3A_500 = arith.mulf %get3A_496, %get3A_499 : vector<16xf32>
      %add3A_501 = arith.addf %broadcast_in_dim3A_493, %mul3A_500 : vector<16xf32>
      %get3A_502 = arith.index_cast %add3A_491 : i32 to index
      %get3A_503 = arith.constant 16 : index
      %get3A_504 = tpu.vector_load %arg9[%get3A_502, %get3A_503] {strides = array<i32>} : memref<512x64xf32, #tpu.memory_space<vmem>>, vector<16xf32>,
      %get3A_505 = arith.index_cast %add3A_491 : i32 to index
      %get3A_506 = arith.constant 16 : index
      %get3A_507 = tpu.vector_load %arg10[%get3A_505, %get3A_506] {strides = array<i32>} : memref<512x64xf32, #tpu.memory_space<vmem>>, vector<16xf32>,
      %mul3A_508 = arith.mulf %get3A_504, %get3A_507 : vector<16xf32>
      %add3A_509 = arith.addf %add3A_501, %mul3A_508 : vector<16xf32>
      %get3A_510 = arith.index_cast %add3A_491 : i32 to index
      %get3A_511 = arith.constant 32 : index
      %get3A_512 = tpu.vector_load %arg9[%get3A_510, %get3A_511] {strides = array<i32>} : memref<512x64xf32, #tpu.memory_space<vmem>>, vector<16xf32>,
      %get3A_513 = arith.index_cast %add3A_491 : i32 to index
      %get3A_514 = arith.constant 32 : index
      %get3A_515 = tpu.vector_load %arg10[%get3A_513, %get3A_514] {strides = array<i32>} : memref<512x64xf32, #tpu.memory_space<vmem>>, vector<16xf32>,
      %mul3A_516 = arith.mulf %get3A_512, %get3A_515 : vector<16xf32>
      %add3A_517 = arith.addf %add3A_509, %mul3A_516 : vector<16xf32>
      %get3A_518 = arith.index_cast %add3A_491 : i32 to index
      %get3A_519 = arith.constant 48 : index
      %get3A_520 = tpu.vector_load %arg9[%get3A_518, %get3A_519] {strides = array<i32>} : memref<512x64xf32, #tpu.memory_space<vmem>>, vector<16xf32>,
      %get3A_521 = arith.index_cast %add3A_491 : i32 to index
      %get3A_522 = arith.constant 48 : index
      %get3A_523 = tpu.vector_load %arg10[%get3A_521, %get3A_522] {strides = array<i32>} : memref<512x64xf32, #tpu.memory_space<vmem>>, vector<16xf32>,
      %mul3A_524 = arith.mulf %get3A_520, %get3A_523 : vector<16xf32>
      %add3A_525 = arith.addf %add3A_517, %mul3A_524 : vector<16xf32>
      %add3A_526 = arith.constant 12 : i32
      %add3A_527 = vector.broadcast %add3A_526 : i32 to vector<16xi32>
      %add3A_528 = arith.addi %mul3A_15, %add3A_527 : vector<16xi32>
      tpu.vector_store_idx %arg11[%add3A_528], %add3A_525 : memref<256xf32, #tpu.memory_space<vmem>>[vector<16xi32>], vector<16xf32>,
      %add3A_529 = arith.constant 13 : i32
      %add3A_530 = arith.addi %mul3A_23, %add3A_529 : i32
      %broadcast_in_dim3A_531 = arith.constant 0.000000e+00 : f32
      %broadcast_in_dim3A_532 = vector.broadcast %broadcast_in_dim3A_531 : f32 to vector<16xf32>
      %get3A_533 = arith.index_cast %add3A_530 : i32 to index
      %get3A_534 = arith.constant 0 : index
      %get3A_535 = tpu.vector_load %arg9[%get3A_533, %get3A_534] {strides = array<i32>} : memref<512x64xf32, #tpu.memory_space<vmem>>, vector<16xf32>,
      %get3A_536 = arith.index_cast %add3A_530 : i32 to index
      %get3A_537 = arith.constant 0 : index
      %get3A_538 = tpu.vector_load %arg10[%get3A_536, %get3A_537] {strides = array<i32>} : memref<512x64xf32, #tpu.memory_space<vmem>>, vector<16xf32>,
      %mul3A_539 = arith.mulf %get3A_535, %get3A_538 : vector<16xf32>
      %add3A_540 = arith.addf %broadcast_in_dim3A_532, %mul3A_539 : vector<16xf32>
      %get3A_541 = arith.index_cast %add3A_530 : i32 to index
      %get3A_542 = arith.constant 16 : index
      %get3A_543 = tpu.vector_load %arg9[%get3A_541, %get3A_542] {strides = array<i32>} : memref<512x64xf32, #tpu.memory_space<vmem>>, vector<16xf32>,
      %get3A_544 = arith.index_cast %add3A_530 : i32 to index
      %get3A_545 = arith.constant 16 : index
      %get3A_546 = tpu.vector_load %arg10[%get3A_544, %get3A_545] {strides = array<i32>} : memref<512x64xf32, #tpu.memory_space<vmem>>, vector<16xf32>,
      %mul3A_547 = arith.mulf %get3A_543, %get3A_546 : vector<16xf32>
      %add3A_548 = arith.addf %add3A_540, %mul3A_547 : vector<16xf32>
      %get3A_549 = arith.index_cast %add3A_530 : i32 to index
      %get3A_550 = arith.constant 32 : index
      %get3A_551 = tpu.vector_load %arg9[%get3A_549, %get3A_550] {strides = array<i32>} : memref<512x64xf32, #tpu.memory_space<vmem>>, vector<16xf32>,
      %get3A_552 = arith.index_cast %add3A_530 : i32 to index
      %get3A_553 = arith.constant 32 : index
      %get3A_554 = tpu.vector_load %arg10[%get3A_552, %get3A_553] {strides = array<i32>} : memref<512x64xf32, #tpu.memory_space<vmem>>, vector<16xf32>,
      %mul3A_555 = arith.mulf %get3A_551, %get3A_554 : vector<16xf32>
      %add3A_556 = arith.addf %add3A_548, %mul3A_555 : vector<16xf32>
      %get3A_557 = arith.index_cast %add3A_530 : i32 to index
      %get3A_558 = arith.constant 48 : index
      %get3A_559 = tpu.vector_load %arg9[%get3A_557, %get3A_558] {strides = array<i32>} : memref<512x64xf32, #tpu.memory_space<vmem>>, vector<16xf32>,
      %get3A_560 = arith.index_cast %add3A_530 : i32 to index
      %get3A_561 = arith.constant 48 : index
      %get3A_562 = tpu.vector_load %arg10[%get3A_560, %get3A_561] {strides = array<i32>} : memref<512x64xf32, #tpu.memory_space<vmem>>, vector<16xf32>,
      %mul3A_563 = arith.mulf %get3A_559, %get3A_562 : vector<16xf32>
      %add3A_564 = arith.addf %add3A_556, %mul3A_563 : vector<16xf32>
      %add3A_565 = arith.constant 13 : i32
      %add3A_566 = vector.broadcast %add3A_565 : i32 to vector<16xi32>
      %add3A_567 = arith.addi %mul3A_15, %add3A_566 : vector<16xi32>
      tpu.vector_store_idx %arg11[%add3A_567], %add3A_564 : memref<256xf32, #tpu.memory_space<vmem>>[vector<16xi32>], vector<16xf32>,
      %add3A_568 = arith.constant 14 : i32
      %add3A_569 = arith.addi %mul3A_23, %add3A_568 : i32
      %broadcast_in_dim3A_570 = arith.constant 0.000000e+00 : f32
      %broadcast_in_dim3A_571 = vector.broadcast %broadcast_in_dim3A_570 : f32 to vector<16xf32>
      %get3A_572 = arith.index_cast %add3A_569 : i32 to index
      %get3A_573 = arith.constant 0 : index
      %get3A_574 = tpu.vector_load %arg9[%get3A_572, %get3A_573] {strides = array<i32>} : memref<512x64xf32, #tpu.memory_space<vmem>>, vector<16xf32>,
      %get3A_575 = arith.index_cast %add3A_569 : i32 to index
      %get3A_576 = arith.constant 0 : index
      %get3A_577 = tpu.vector_load %arg10[%get3A_575, %get3A_576] {strides = array<i32>} : memref<512x64xf32, #tpu.memory_space<vmem>>, vector<16xf32>,
      %mul3A_578 = arith.mulf %get3A_574, %get3A_577 : vector<16xf32>
      %add3A_579 = arith.addf %broadcast_in_dim3A_571, %mul3A_578 : vector<16xf32>
      %get3A_580 = arith.index_cast %add3A_569 : i32 to index
      %get3A_581 = arith.constant 16 : index
      %get3A_582 = tpu.vector_load %arg9[%get3A_580, %get3A_581] {strides = array<i32>} : memref<512x64xf32, #tpu.memory_space<vmem>>, vector<16xf32>,
      %get3A_583 = arith.index_cast %add3A_569 : i32 to index
      %get3A_584 = arith.constant 16 : index
      %get3A_585 = tpu.vector_load %arg10[%get3A_583, %get3A_584] {strides = array<i32>} : memref<512x64xf32, #tpu.memory_space<vmem>>, vector<16xf32>,
      %mul3A_586 = arith.mulf %get3A_582, %get3A_585 : vector<16xf32>
      %add3A_587 = arith.addf %add3A_579, %mul3A_586 : vector<16xf32>
      %get3A_588 = arith.index_cast %add3A_569 : i32 to index
      %get3A_589 = arith.constant 32 : index
      %get3A_590 = tpu.vector_load %arg9[%get3A_588, %get3A_589] {strides = array<i32>} : memref<512x64xf32, #tpu.memory_space<vmem>>, vector<16xf32>,
      %get3A_591 = arith.index_cast %add3A_569 : i32 to index
      %get3A_592 = arith.constant 32 : index
      %get3A_593 = tpu.vector_load %arg10[%get3A_591, %get3A_592] {strides = array<i32>} : memref<512x64xf32, #tpu.memory_space<vmem>>, vector<16xf32>,
      %mul3A_594 = arith.mulf %get3A_590, %get3A_593 : vector<16xf32>
      %add3A_595 = arith.addf %add3A_587, %mul3A_594 : vector<16xf32>
      %get3A_596 = arith.index_cast %add3A_569 : i32 to index
      %get3A_597 = arith.constant 48 : index
      %get3A_598 = tpu.vector_load %arg9[%get3A_596, %get3A_597] {strides = array<i32>} : memref<512x64xf32, #tpu.memory_space<vmem>>, vector<16xf32>,
      %get3A_599 = arith.index_cast %add3A_569 : i32 to index
      %get3A_600 = arith.constant 48 : index
      %get3A_601 = tpu.vector_load %arg10[%get3A_599, %get3A_600] {strides = array<i32>} : memref<512x64xf32, #tpu.memory_space<vmem>>, vector<16xf32>,
      %mul3A_602 = arith.mulf %get3A_598, %get3A_601 : vector<16xf32>
      %add3A_603 = arith.addf %add3A_595, %mul3A_602 : vector<16xf32>
      %add3A_604 = arith.constant 14 : i32
      %add3A_605 = vector.broadcast %add3A_604 : i32 to vector<16xi32>
      %add3A_606 = arith.addi %mul3A_15, %add3A_605 : vector<16xi32>
      tpu.vector_store_idx %arg11[%add3A_606], %add3A_603 : memref<256xf32, #tpu.memory_space<vmem>>[vector<16xi32>], vector<16xf32>,
      %add3A_607 = arith.constant 15 : i32
      %add3A_608 = arith.addi %mul3A_23, %add3A_607 : i32
      %broadcast_in_dim3A_609 = arith.constant 0.000000e+00 : f32
      %broadcast_in_dim3A_610 = vector.broadcast %broadcast_in_dim3A_609 : f32 to vector<16xf32>
      %get3A_611 = arith.index_cast %add3A_608 : i32 to index
      %get3A_612 = arith.constant 0 : index
      %get3A_613 = tpu.vector_load %arg9[%get3A_611, %get3A_612] {strides = array<i32>} : memref<512x64xf32, #tpu.memory_space<vmem>>, vector<16xf32>,
      %get3A_614 = arith.index_cast %add3A_608 : i32 to index
      %get3A_615 = arith.constant 0 : index
      %get3A_616 = tpu.vector_load %arg10[%get3A_614, %get3A_615] {strides = array<i32>} : memref<512x64xf32, #tpu.memory_space<vmem>>, vector<16xf32>,
      %mul3A_617 = arith.mulf %get3A_613, %get3A_616 : vector<16xf32>
      %add3A_618 = arith.addf %broadcast_in_dim3A_610, %mul3A_617 : vector<16xf32>
      %get3A_619 = arith.index_cast %add3A_608 : i32 to index
      %get3A_620 = arith.constant 16 : index
      %get3A_621 = tpu.vector_load %arg9[%get3A_619, %get3A_620] {strides = array<i32>} : memref<512x64xf32, #tpu.memory_space<vmem>>, vector<16xf32>,
      %get3A_622 = arith.index_cast %add3A_608 : i32 to index
      %get3A_623 = arith.constant 16 : index
      %get3A_624 = tpu.vector_load %arg10[%get3A_622, %get3A_623] {strides = array<i32>} : memref<512x64xf32, #tpu.memory_space<vmem>>, vector<16xf32>,
      %mul3A_625 = arith.mulf %get3A_621, %get3A_624 : vector<16xf32>
      %add3A_626 = arith.addf %add3A_618, %mul3A_625 : vector<16xf32>
      %get3A_627 = arith.index_cast %add3A_608 : i32 to index
      %get3A_628 = arith.constant 32 : index
      %get3A_629 = tpu.vector_load %arg9[%get3A_627, %get3A_628] {strides = array<i32>} : memref<512x64xf32, #tpu.memory_space<vmem>>, vector<16xf32>,
      %get3A_630 = arith.index_cast %add3A_608 : i32 to index
      %get3A_631 = arith.constant 32 : index
      %get3A_632 = tpu.vector_load %arg10[%get3A_630, %get3A_631] {strides = array<i32>} : memref<512x64xf32, #tpu.memory_space<vmem>>, vector<16xf32>,
      %mul3A_633 = arith.mulf %get3A_629, %get3A_632 : vector<16xf32>
      %add3A_634 = arith.addf %add3A_626, %mul3A_633 : vector<16xf32>
      %get3A_635 = arith.index_cast %add3A_608 : i32 to index
      %get3A_636 = arith.constant 48 : index
      %get3A_637 = tpu.vector_load %arg9[%get3A_635, %get3A_636] {strides = array<i32>} : memref<512x64xf32, #tpu.memory_space<vmem>>, vector<16xf32>,
      %get3A_638 = arith.index_cast %add3A_608 : i32 to index
      %get3A_639 = arith.constant 48 : index
      %get3A_640 = tpu.vector_load %arg10[%get3A_638, %get3A_639] {strides = array<i32>} : memref<512x64xf32, #tpu.memory_space<vmem>>, vector<16xf32>,
      %mul3A_641 = arith.mulf %get3A_637, %get3A_640 : vector<16xf32>
      %add3A_642 = arith.addf %add3A_634, %mul3A_641 : vector<16xf32>
      %add3A_643 = arith.constant 15 : i32
      %add3A_644 = vector.broadcast %add3A_643 : i32 to vector<16xi32>
      %add3A_645 = arith.addi %mul3A_15, %add3A_644 : vector<16xi32>
      tpu.vector_store_idx %arg11[%add3A_645], %add3A_642 : memref<256xf32, #tpu.memory_space<vmem>>[vector<16xi32>], vector<16xf32>,
      %get3A_646 = arith.constant 0 : index
      %get3A_647 = tpu.vector_load %arg11[%get3A_646] {strides = array<i32>} : memref<256xf32, #tpu.memory_space<vmem>>, vector<16xf32>,
      %get3A_648 = arith.constant 16 : index
      %get3A_649 = tpu.vector_load %arg11[%get3A_648] {strides = array<i32>} : memref<256xf32, #tpu.memory_space<vmem>>, vector<16xf32>,
      %add3A_650 = arith.addf %get3A_647, %get3A_649 : vector<16xf32>
      %get3A_651 = arith.constant 32 : index
      %get3A_652 = tpu.vector_load %arg11[%get3A_651] {strides = array<i32>} : memref<256xf32, #tpu.memory_space<vmem>>, vector<16xf32>,
      %add3A_653 = arith.addf %add3A_650, %get3A_652 : vector<16xf32>
      %get3A_654 = arith.constant 48 : index
      %get3A_655 = tpu.vector_load %arg11[%get3A_654] {strides = array<i32>} : memref<256xf32, #tpu.memory_space<vmem>>, vector<16xf32>,
      %add3A_656 = arith.addf %add3A_653, %get3A_655 : vector<16xf32>
      %get3A_657 = arith.constant 64 : index
      %get3A_658 = tpu.vector_load %arg11[%get3A_657] {strides = array<i32>} : memref<256xf32, #tpu.memory_space<vmem>>, vector<16xf32>,
      %add3A_659 = arith.addf %add3A_656, %get3A_658 : vector<16xf32>
      %get3A_660 = arith.constant 80 : index
      %get3A_661 = tpu.vector_load %arg11[%get3A_660] {strides = array<i32>} : memref<256xf32, #tpu.memory_space<vmem>>, vector<16xf32>,
      %add3A_662 = arith.addf %add3A_659, %get3A_661 : vector<16xf32>
      %get3A_663 = arith.constant 96 : index
      %get3A_664 = tpu.vector_load %arg11[%get3A_663] {strides = array<i32>} : memref<256xf32, #tpu.memory_space<vmem>>, vector<16xf32>,
      %add3A_665 = arith.addf %add3A_662, %get3A_664 : vector<16xf32>
      %get3A_666 = arith.constant 112 : index
      %get3A_667 = tpu.vector_load %arg11[%get3A_666] {strides = array<i32>} : memref<256xf32, #tpu.memory_space<vmem>>, vector<16xf32>,
      %add3A_668 = arith.addf %add3A_665, %get3A_667 : vector<16xf32>
      %get3A_669 = arith.constant 128 : index
      %get3A_670 = tpu.vector_load %arg11[%get3A_669] {strides = array<i32>} : memref<256xf32, #tpu.memory_space<vmem>>, vector<16xf32>,
      %add3A_671 = arith.addf %add3A_668, %get3A_670 : vector<16xf32>
      %get3A_672 = arith.constant 144 : index
      %get3A_673 = tpu.vector_load %arg11[%get3A_672] {strides = array<i32>} : memref<256xf32, #tpu.memory_space<vmem>>, vector<16xf32>,
      %add3A_674 = arith.addf %add3A_671, %get3A_673 : vector<16xf32>
      %get3A_675 = arith.constant 160 : index
      %get3A_676 = tpu.vector_load %arg11[%get3A_675] {strides = array<i32>} : memref<256xf32, #tpu.memory_space<vmem>>, vector<16xf32>,
      %add3A_677 = arith.addf %add3A_674, %get3A_676 : vector<16xf32>
      %get3A_678 = arith.constant 176 : index
      %get3A_679 = tpu.vector_load %arg11[%get3A_678] {strides = array<i32>} : memref<256xf32, #tpu.memory_space<vmem>>, vector<16xf32>,
      %add3A_680 = arith.addf %add3A_677, %get3A_679 : vector<16xf32>
      %get3A_681 = arith.constant 192 : index
      %get3A_682 = tpu.vector_load %arg11[%get3A_681] {strides = array<i32>} : memref<256xf32, #tpu.memory_space<vmem>>, vector<16xf32>,
      %add3A_683 = arith.addf %add3A_680, %get3A_682 : vector<16xf32>
      %get3A_684 = arith.constant 208 : index
      %get3A_685 = tpu.vector_load %arg11[%get3A_684] {strides = array<i32>} : memref<256xf32, #tpu.memory_space<vmem>>, vector<16xf32>,
      %add3A_686 = arith.addf %add3A_683, %get3A_685 : vector<16xf32>
      %get3A_687 = arith.constant 224 : index
      %get3A_688 = tpu.vector_load %arg11[%get3A_687] {strides = array<i32>} : memref<256xf32, #tpu.memory_space<vmem>>, vector<16xf32>,
      %add3A_689 = arith.addf %add3A_686, %get3A_688 : vector<16xf32>
      %get3A_690 = arith.constant 240 : index
      %get3A_691 = tpu.vector_load %arg11[%get3A_690] {strides = array<i32>} : memref<256xf32, #tpu.memory_space<vmem>>, vector<16xf32>,
      %add3A_692 = arith.addf %add3A_689, %get3A_691 : vector<16xf32>
      %swap3A = arith.index_cast %mul3A_23 : i32 to index
      %swap3A_693 = tpu.vector_load %arg12[%swap3A] {strides = array<i32>} : memref<512xf32, #tpu.memory_space<vmem>>, vector<16xf32>,
      tpu.vector_store %arg12[%swap3A], %add3A_692 {strides = array<i32>} : memref<512xf32, #tpu.memory_space<vmem>>, vector<16xf32>,
    }
    %scan3A_20 = arith.constant 32 : i32
    "tpu.region"() ({
      %run_scoped3A = tpu.sem_alloc : memref<!tpu.dma_semaphore, #tpu.memory_space<semaphore_mem>>
      %dma_start3A_21 = tpu.memref_slice %arg6[%mul3A_2] : memref<16384xf32, #tpu.memory_space<hbm>> -> memref<512xf32, #tpu.memory_space<hbm>>
      %dma_start3A_22 = tpu.memref_slice %arg6[%mul3A_2] : memref<16384xf32, #tpu.memory_space<hbm>> -> memref<512xf32, #tpu.memory_space<hbm>>
      tpu.enqueue_dma source(%arg12 : memref<512xf32, #tpu.memory_space<vmem>>) target(%dma_start3A_22 : memref<512xf32, #tpu.memory_space<hbm>>) target_semaphore(%run_scoped3A : memref<!tpu.dma_semaphore, #tpu.memory_space<semaphore_mem>>)
      %dma_wait3A_23 = tpu.memref_slice %arg6[%mul3A_2] : memref<16384xf32, #tpu.memory_space<hbm>> -> memref<512xf32, #tpu.memory_space<hbm>>
      %dma_wait3A_24 = tpu.memref_slice %arg6[%mul3A_2] : memref<16384xf32, #tpu.memory_space<hbm>> -> memref<512xf32, #tpu.memory_space<hbm>>
      tpu.wait_dma2 semaphore(%run_scoped3A : memref<!tpu.dma_semaphore, #tpu.memory_space<semaphore_mem>>) src(%arg12 : memref<512xf32, #tpu.memory_space<vmem>>) dst(%dma_wait3A_24 : memref<512xf32, #tpu.memory_space<hbm>>)
      tpu.yield
    }) : () -> ()
    return
  }
}

</mosaic_0001>

<sc_bundles>
// kernel: _mf.3.cloned.1.call-start
scs
__scs_entry_jumppad:
0x0: {  	(pc) =	sbr.rel $0x88, $3  }
0x1: {  	(tag) =	ssettag $0x0;
	lr =	simm.s32 $0x1  }
0x2: {  	[smem:$0x3F9D] =	sst lr;
	_ =	strace $0xD0000000  }
0x3: {  	_ = 	snop  }
0x4: {  	_ = 	snop  }
0x5: {  	_ = 	snop  }
0x6: {  	_ = 	snop  }
0x7: {  	_ = 	snop  }
__scs_overlays_trampoline_lowered:
0x8: {  	[smem:$0x3FAC] =	sst s0  }
0x9: {  	[smem:$0x3FAD] =	sst s1  }
0xa: {  	[smem:$0x3FAE] =	sst s2  }
0xb: {  	[smem:$0x3FAF] =	sst s3  }
0xc: {  	[smem:$0x3FB0] =	sst s4  }
0xd: {  	[smem:$0x3FB1] =	sst s5  }
0xe: {  	[smem:$0x3FB2] =	sst s6  }
0xf: {  	[smem:$0x3FB3] =	sst s7  }
0x10: {  	[smem:$0x3FB4] =	sst s8  }
0x11: {  	[smem:$0x3FB5] =	sst s9;
	s0 =	simm.s32 @!p0 $0x0  }
0x12: {  	s1 =	sld [smem:$0x3F9B];
	s0 =	simm.s32 @p0 $0x1  }
0x13: {  	[smem:$0x3FB6] =	sst s0;
	s0 =	simm.s32 @!p1 $0x0  }
0x14: {  	s2 =	sld [smem:$0x3F9A];
	s0 =	simm.s32 @p1 $0x1  }
0x15: {  	[smem:$0x3FB7] =	sst s0;
	s0 =	simm.s32 @!p2 $0x0  }
0x16: {  	s3 =	sld [smem:$0x3FDB];
	s0 =	simm.s32 @p2 $0x1  }
0x17: {  	s4 =	simm.s32 $0x1BF5;
	[smem:$0x3FB9] =	sst s0  }
0x18: {  	s0 =	sld [smem:$0x3F9C];
	_ =	swait.ge [sflag:s4], $0x0  }
0x19: {  	s7 =	sld [smem:$0x3F9D]  }
0x1a: {  	s8 =	sadd.s32 $0xFFFFE003, lr  }
0x1b: {  	s9 =	sadd.s32 $0xFFFFFEF7, lr;
	s5 =	simm.s32 $0xFFFFFFFF;
	p2 =	slt.u32 s8, $0xFFFFF086  }
0x1c: {  	p1 =	slt.u32 s9, $0xF7A;
	s5 =	simm.s32 @!p2 $0x0  }
0x1d: {  	s5 =	simm.s32 @p1 $0x1;
	p0 =	seq.s32 s7, s2  }
0x1e: {  	s7 =	smul.u32 @!p0 $0xF7A, s2;
	p2 =	seq.s32 @!p0 s5, $0x0  }
0x1f: {  	s9 =	smul.u32 $0xF7A, s1;
	s8 =	simm.s32 @!p0 $0x1BF5;
	p2 =	por !p2, p0  }
0x20: {  	[sflag:s8] =	ssyncset.s32 @!p0 $0xFFFFF086;
	s6 =	sadd.s32 @!p0 s3, s7;
	s7 =	simm.s32 @!p0 $0x108  }
0x21: {  	s3 =	sadd.s32 s3, s9;
	s6 =	sadd.s32 @!p0 $0x88, s6;
	s7 =	simm.s32 @p2 $0x1082  }
0x22: {  	[simem:s7], [sflag:s8] =	dma.local @!p0 [hbm:s6], $0xF7A  }
0x23: {  	s9 =	sor.u32 $0xD0000000, s2;
	s6 =	simm.s32 $0x108;
	_ =	swait.ge @!p0 [sflag:s8], $0x0  }
0x24: {  	s3 =	sadd.s32 $0x88, s3;
	s6 =	simm.s32 @!p1 $0x1082;
	[sflag:s4] =	ssyncset.s32 $0xFFFFF086  }
0x25: {  	[simem:s6], [sflag:s4] =	dma.local [hbm:s3], $0xF7A  }
0x26: {  	[smem:$0x3F9D] =	sst s1;
	(tag) =	ssettag s2;
	_ =	strace s9  }
0x27: {  	s1 =	sld [smem:$0x3FAD]  }
0x28: {  	s2 =	sld [smem:$0x3FAE]  }
0x29: {  	s4 =	sld [smem:$0x3FB0]  }
0x2a: {  	p0 =	seq.s32 s5, $0x0;
	s5 =	sld [smem:$0x3FB1]  }
0x2b: {  	s6 =	sld [smem:$0x3FB2]  }
0x2c: {  	s7 =	sld [smem:$0x3FB3]  }
0x2d: {  	s3 =	simm.s32 $0x108;
	s8 =	sld [smem:$0x3FB4]  }
0x2e: {  	s3 =	simm.s32 @!p0 $0x1082;
	s9 =	sld [smem:$0x3FB5]  }
0x2f: {  	lr =	sadd.s32 s0, s3;
	s0 =	sld [smem:$0x3FAC]  }
0x30: {  	s3 =	sld [smem:$0x3FAF]  }
0x31: {  	[smem:$0x3FB8] =	sst s10  }
0x32: {  	s10 =	sld [smem:$0x3FB6];
	_ =	sdelay $0x3  }
0x33: {  	p0 =	seq.s32 s10, $0x1;
	s10 =	sld [smem:$0x3FB8];
	_ =	sdelay $0x3  }
0x34: {  	[smem:$0x3FB8] =	sst s10  }
0x35: {  	s10 =	sld [smem:$0x3FB7];
	_ =	sdelay $0x3  }
0x36: {  	p1 =	seq.s32 s10, $0x1;
	s10 =	sld [smem:$0x3FB8];
	_ =	sdelay $0x3  }
0x37: {  	[smem:$0x3FB8] =	sst s10  }
0x38: {  	s10 =	sld [smem:$0x3FB9]  }
0x39: {  	_ = 	snop;
	(pc) =	sbr.ind lr, $3  }
0x3a: {  	_ = 	snop  }
0x3b: {  	_ = 	snop  }
0x3c: {  	p2 =	seq.s32 s10, $0x1;
	s10 =	sld [smem:$0x3FB8]  }
0x3d: {  	_ =	shalt  }
0x3e: {  	_ =	shalt  }
0x3f: {  	_ =	shalt  }
0x40: {  	_ =	shalt  }
0x41: {  	_ =	shalt  }
0x42: {  	_ =	shalt  }
0x43: {  	_ =	shalt  }
0x44: {  	_ =	shalt  }
0x45: {  	_ =	shalt  }
0x46: {  	_ =	shalt  }
0x47: {  	_ =	shalt  }
0x48: {  	_ =	shalt  }
0x49: {  	_ =	shalt  }
0x4a: {  	_ =	shalt  }
0x4b: {  	_ =	shalt  }
0x4c: {  	_ =	shalt  }
0x4d: {  	_ =	shalt  }
0x4e: {  	_ =	shalt  }
0x4f: {  	_ =	shalt  }
0x50: {  	_ =	shalt  }
0x51: {  	_ =	shalt  }
0x52: {  	_ =	shalt  }
0x53: {  	_ =	shalt  }
0x54: {  	_ =	shalt  }
0x55: {  	_ =	shalt  }
0x56: {  	_ =	shalt  }
0x57: {  	_ =	shalt  }
0x58: {  	_ =	shalt  }
0x59: {  	_ =	shalt  }
0x5a: {  	_ =	shalt  }
0x5b: {  	_ =	shalt  }
0x5c: {  	_ =	shalt  }
0x5d: {  	_ =	shalt  }
0x5e: {  	_ =	shalt  }
0x5f: {  	_ =	shalt  }
0x60: {  	_ =	shalt  }
0x61: {  	_ =	shalt  }
0x62: {  	_ =	shalt  }
0x63: {  	_ =	shalt  }
0x64: {  	_ =	shalt  }
0x65: {  	_ =	shalt  }
0x66: {  	_ =	shalt  }
0x67: {  	_ =	shalt  }
0x68: {  	_ =	shalt  }
0x69: {  	_ =	shalt  }
0x6a: {  	_ =	shalt  }
0x6b: {  	_ =	shalt  }
0x6c: {  	_ =	shalt  }
0x6d: {  	_ =	shalt  }
0x6e: {  	_ =	shalt  }
0x6f: {  	_ =	shalt  }
0x70: {  	_ =	shalt  }
0x71: {  	_ =	shalt  }
0x72: {  	_ =	shalt  }
0x73: {  	_ =	shalt  }
0x74: {  	_ =	shalt  }
0x75: {  	_ =	shalt  }
0x76: {  	_ =	shalt  }
0x77: {  	_ =	shalt  }
0x78: {  	_ =	shalt  }
0x79: {  	_ =	shalt  }
0x7a: {  	_ =	shalt  }
0x7b: {  	_ =	shalt  }
0x7c: {  	_ =	shalt  }
0x7d: {  	_ =	shalt  }
0x7e: {  	_ =	shalt  }
0x7f: {  	_ =	shalt  }
0x80: {  	_ =	shalt  }
0x81: {  	_ =	shalt  }
0x82: {  	_ =	shalt  }
0x83: {  	_ =	shalt  }
0x84: {  	_ =	shalt  }
0x85: {  	_ =	shalt  }
0x86: {  	_ =	shalt  }
0x87: {  	_ =	shalt  }
.Lfunc_end0:
.L_simem_size_0:
called_computation_lowered:
.L_overlay_start_0:
0x88: {  	s2 =	sld [smem:$0x3FD9]  }
0x89: {  	s3 =	sld [smem:$0x3FFE];
	_ =	sdelay $0x1  }
0x8a: {  	s1 =	srdreg.scid  }
0x8b: {  	s0 =	sand.u32 $0x1, s1  }
0x8c: {  	s17 =	sshll.u32 s0, $0xA;
	s2 =	sadd.s32 s3, s2  }
0x8d: {  	s2 =	sadd.s32 s2, s17  }
0x8e: {  	[smem:$0x3FC4] =	sst s2  }
0x8f: {  	_ = 	snop  }
0x90: {  	s2 =	sld [smem:$0x3FC9]  }
0x91: {  	s18 =	sld [smem:$0x3FC8]  }
0x92: {  	s4 =	sld [smem:$0x3FD0];
	(tm) =	ssettm $0x1  }
0x93: {  	s5 =	sld [smem:$0x3FFB];
	_ =	sdelay $0x3  }
0x94: {  	_ =	strace s5  }
0x95: {  	s5 =	sld [smem:$0x3FFC];
	_ =	sdelay $0x3  }
0x96: {  	_ =	strace s5  }
0x97: {  	s5 =	sld [smem:$0x3FFD];
	_ =	sdelay $0x3  }
0x98: {  	_ =	strace s5  }
0x99: {  	_ =	strace $0x8FFFFFFF  }
0x9a: {  	s19 =	sld [smem:$0x3FDB];
	_ =	sdelay $0x1  }
0x9b: {  	s6 =	simm.s32 $_scs_section_size  }
0x9c: {  	s7 =	simm.s32 $_size__tile_overlayer_lowered;
	s8 =	simm.s32 $_tile_overlayer_lowered  }
0x9d: {  	s22 =	simm.s32 $0x1BFF;
	s21 =	sshll.u32 s8, $0x1;
	s5 =	sadd.s32 s6, s19  }
0x9e: {  	s9 =	simm.s32 $0x0;
	s20 =	sshll.u32 s7, $0x1;
	s7 =	sadd.s32 s21, s5  }
0x9f: {  	[timem:s9], [sflag:s22] =	dma.local [hbm:s7], s20  }
0xa0: {  	_ =	swait.ge [sflag:s22], s20  }
0xa1: {  	s6 =	ssub.s32 $0x0, s20;
	[sflag:s22] =	ssyncset.done $0x0  }
0xa2: {  	[sflag:s22] =	ssyncadd.s32 s6;
	_ =	sdelay $0x1  }
0xa3: {  	s23 =	simm.s32 $0x1B8B  }
0xa4: {  	_ =	swait.ge [sflag:s23], $0x1  }
0xa5: {  	[sflag:s23] =	ssyncset.done $0x0  }
0xa6: {  	s25 =	simm.s32 $0x1B8E;
	s24 =	sld [smem:$0x3FFE];
	[sflag:s23] =	ssyncadd.s32 $0xFFFFFFFF  }
0xa7: {  	s26 =	simm.s32 $execute0_lowered;
	[smem:$0x3FD2] =	sst s25  }
0xa8: {  	s7 =	sshll.u32 s26, $0x1;
	_ =	strace $0x80000046;
	[dreg:$0x1] =	wrdreg $0xFFFFFFFF  }
0xa9: {  	s28 =	simm.s32 $_size_execute0_lowered;
	s5 =	sadd.s32 s5, s7;
	[dreg:$0x0] =	wrdreg $0x0  }
0xaa: {  	s7 =	sshll.u32 s28, $0x1;
	[dreg:$0x2] =	wrdreg s5  }
0xab: {  	[dreg:$0x3] =	wrdreg s7  }
0xac: {  	[dreg:$0x4] =	wrdreg $0xC0  }
0xad: {  	_ =	task [dreg:s9], $0x5FFFF  }
0xae: {  	[dreg:$0x1] =	wrdreg $0xFFFFFFFF  }
0xaf: {  	[dreg:$0x0] =	wrdreg $0x60  }
0xb0: {  	[dreg:$0x2] =	wrdreg s2  }
0xb1: {  	[dreg:$0x3] =	wrdreg s18  }
0xb2: {  	[dreg:$0x4] =	wrdreg s24  }
0xb3: {  	[dreg:$0x5] =	wrdreg s4  }
0xb4: {  	[dreg:$0x6] =	wrdreg $0x9  }
0xb5: {  	_ =	task.clear_ibuf [dreg:s9], $0x7FFFF;
	_ =	strace $0x90000046  }
0xb6: {  	s29 =	simm.s32 $0x9;
	_ =	strace $0x80000048  }
0xb7: {  	_ =	swait.ge [sflag:s29], $0x1  }
0xb8: {  	[sflag:s29] =	ssyncadd.s32 $0xFFFFFFFF  }
0xb9: {  	_ =	strace $0x90000048  }
0xba: {  	_ =	sfence  }
0xbb: {  	s30 =	sld [smem:$0x0];
	_ =	sdelay $0x2  }
0xbc: {  	s31 =	sshll.u32 s1, $0xD;
	s1 =	sshrl.u32 s1, $0x2  }
0xbd: {  	s3 =	sand.u32 $0x4000, s31;
	s1 =	sadd.s32 s1, s30  }
0xbe: {  	s0 =	sor.u32 s3, s0;
	s1 =	sshll.u32 s1, $0x11  }
0xbf: {  	s0 =	sor.u32 s1, s0  }
0xc0: {  	s0 =	sadd.s32 $0x8F2B, s0  }
0xc1: {  	[sflag:s0] =	ssyncadd.remote.s32 $0x1  }
0xc2: {  	_ =	sfence.sel $0xFFFF  }
0xc3: {  	[dreg:$0x0] =	wrdreg $0xFFFFFFFF;
	(pc) =	sbr.abs _section_cstart, $3  }
0xc4: {  	[dreg:$0x1] =	wrdreg $0xFFFFFFFF  }
0xc5: {  	_ =	task.clear_ibuf [dreg:s9], $0x2FFFF;
	_ =	strace $0x9FFFFFFF  }
0xc6: {  	(tm) =	ssettm $0x7FFFFFFF  }
0xc7: {  	_ =	shalt  }
tec
execute0_lowered:
.L_overlay_start_1:
0x0: {  	(tag) =	ssettag $0x1  }
0x1: {  	s5 =	rddreg [dreg:$0x0]  }
0x2: {  	s6 =	rddreg [dreg:$0x1]  }
0x3: {  	s4 =	rddreg [dreg:$0x2]  }
0x4: {  	s7 =	rddreg [dreg:$0x3]  }
0x5: {  	s0 =	rddreg [dreg:$0x4]  }
0x6: {  	s2 =	simm.s32 $0x0;
	s3 =	srdreg.scid;
	s1 =	stileid.u32  }
0x7: {  	v0 =	vlaneseq.u32;
	s12 =	simm.s32 $0x8400;
	s13 =	simm.s32 $0x1;
	s14 =	simm.s32 $0x2  }
0x8: {  	s15 =	simm.s32 $0x10400;
	s16 =	simm.s32 $0x10500;
	s17 =	simm.s32 $0x0;
	v0 =	vmul.u32 $0x10, v0  }
0x9: {  	[smem:$0x7FF] =	sst s2;
	s3 =	sand.u32 $0x1, s3;
	s9 =	sshll.u32 s1, $0x7  }
0xa: {  	_ =	strace $0x80000047;
	s8 =	ssub.s32 $0x2, s3;
	s10 =	sshll.u32 s3, $0x6;
	v1 =	vor.u32 $0x1, v0;
	v2 =	vor.u32 $0x2, v0;
	v3 =	vor.u32 $0x3, v0  }
0xb: {  	s3 =	sadd.s32 $0xF42800, s4;
	s4 =	sadd.s32 $0x16E3A00, s4;
	s11 =	sshrl.u32 s8, $0x1;
	v4 =	vor.u32 $0x4, v0;
	v5 =	vor.u32 $0x5, v0;
	v6 =	vor.u32 $0x6, v0  }
0xc: {  	s9 =	sor.u32 s10, s9;
	s10 =	simm.s32 $0x200;
	v7 =	vor.u32 $0x7, v0;
	v8 =	vor.u32 $0x8, v0;
	v9 =	vor.u32 $0x9, v0;
	s8 =	ssub.s32 s8, s11  }
0xd: {  	v10 =	vor.u32 $0xA, v0;
	v11 =	vor.u32 $0xB, v0;
	v12 =	vor.u32 $0xC, v0;
	s5 =	sadd.s32 s5, s9;
	s6 =	sadd.s32 s6, s9;
	s7 =	sadd.s32 s7, s9  }
0xe: {  	v13 =	vor.u32 $0xD, v0;
	v14 =	vor.u32 $0xE, v0;
	v15 =	vor.u32 $0xF, v0;
	s9 =	simm.s32 $0x3;
	s11 =	simm.s32 $0x400;
	s8 =	smax.u32 s8, $0x1  }
.LBB2_1:
0xf: {  	[tilespmem:s2], [sflag:$0x3] =	stream.linear.gather [hbm4b:s5+s2], $0x200, $0x38;
	[tilespmem:$0x10700] =	vst v63  }
0x10: {  	_ =	swait.ge [sflag:s9], $0x200  }
0x11: {  	[sflag:s9] =	ssyncset.done $0x0  }
0x12: {  	[sflag:s9] =	ssyncadd.s32 $0xFFFFFE00  }
0x13: {  	[tilespmem:s10], [sflag:$0x3] =	stream.linear.gather [hbm4b:s6+s2], $0x200, $0x38;
	[tilespmem:$0x10700] =	vst v63  }
0x14: {  	_ =	swait.ge [sflag:s9], $0x200  }
0x15: {  	[sflag:s9] =	ssyncset.done $0x0  }
0x16: {  	[sflag:s9] =	ssyncadd.s32 $0xFFFFFE00  }
0x17: {  	[tilespmem:s11], [sflag:$0x1] =	stream.indirect.gather [hbm4b:s3+s10], $0x40, s2, s10, $0xb8;
	[tilespmem:$0x10700] =	vst v63  }
0x18: {  	_ = 	snop  }
0x19: {  	[tilespmem:s12], [sflag:$0x2] =	stream.indirect.gather [hbm4b:s4+s10], $0x40, s10, s10, $0xb8;
	[tilespmem:$0x10700] =	vst v63  }
0x1a: {  	_ =	swait.ge [sflag:s13], $0x8000  }
0x1b: {  	[sflag:s13] =	ssyncset.done $0x0  }
0x1c: {  	[sflag:s13] =	ssyncadd.s32 $0xFFFF8000  }
0x1d: {  	_ =	swait.ge [sflag:s14], $0x8000  }
0x1e: {  	[sflag:s14] =	ssyncset.done $0x0  }
0x1f: {  	s18 =	simm.s32 $0x0;
	[sflag:s14] =	ssyncadd.s32 $0xFFFF8000  }
0x20: {  	v16 =	vld [tilespmem:s18+$0x8400]  }
0x21: {  	v17 =	vld [tilespmem:s18+$0x400]  }
0x22: {  	v18 =	vld [tilespmem:s18+$0x8410]  }
0x23: {  	v19 =	vld [tilespmem:s18+$0x410]  }
0x24: {  	v20 =	vld [tilespmem:s18+$0x8420]  }
0x25: {  	v21 =	vld [tilespmem:s18+$0x420]  }
0x26: {  	v22 =	vld [tilespmem:s18+$0x430];
	v16 =	vmul.f32 v16, v17  }
0x27: {  	v17 =	vld [tilespmem:s18+$0x8430]  }
0x28: {  	v18 =	vmul.f32 v18, v19;
	v16 =	vadd.f32 $0.0e+00, v16;
	_ =	sdelay $0x1  }
0x29: {  	v16 =	vadd.f32 v18, v16;
	v18 =	vmul.f32 v20, v21;
	_ =	sdelay $0x1  }
0x2a: {  	v17 =	vmul.f32 v17, v22;
	v16 =	vadd.f32 v18, v16;
	_ =	sdelay $0x1  }
0x2b: {  	v16 =	vadd.f32 v17, v16;
	_ =	sdelay $0x1  }
0x2c: {  	[tilespmem:v0+s15+$0x0] =	vst.idx.msk $0xffff, v16  }
0x2d: {  	v16 =	vld [tilespmem:s18+$0x440]  }
0x2e: {  	v17 =	vld [tilespmem:s18+$0x8440]  }
0x2f: {  	v18 =	vld [tilespmem:s18+$0x8450]  }
0x30: {  	v19 =	vld [tilespmem:s18+$0x450]  }
0x31: {  	v20 =	vld [tilespmem:s18+$0x8460]  }
0x32: {  	v21 =	vld [tilespmem:s18+$0x460]  }
0x33: {  	v22 =	vld [tilespmem:s18+$0x470];
	v16 =	vmul.f32 v17, v16  }
0x34: {  	v17 =	vld [tilespmem:s18+$0x8470]  }
0x35: {  	v18 =	vmul.f32 v18, v19;
	v16 =	vadd.f32 $0.0e+00, v16;
	_ =	sdelay $0x1  }
0x36: {  	v16 =	vadd.f32 v18, v16;
	v18 =	vmul.f32 v20, v21;
	_ =	sdelay $0x1  }
0x37: {  	v17 =	vmul.f32 v17, v22;
	v16 =	vadd.f32 v18, v16;
	_ =	sdelay $0x1  }
0x38: {  	v16 =	vadd.f32 v17, v16;
	_ =	sdelay $0x1  }
0x39: {  	[tilespmem:v1+s15+$0x0] =	vst.idx.msk $0xffff, v16  }
0x3a: {  	v16 =	vld [tilespmem:s18+$0x8480]  }
0x3b: {  	v17 =	vld [tilespmem:s18+$0x480]  }
0x3c: {  	v18 =	vld [tilespmem:s18+$0x8490]  }
0x3d: {  	v19 =	vld [tilespmem:s18+$0x490]  }
0x3e: {  	v20 =	vld [tilespmem:s18+$0x84A0]  }
0x3f: {  	v21 =	vld [tilespmem:s18+$0x4A0]  }
0x40: {  	v22 =	vld [tilespmem:s18+$0x4B0];
	v16 =	vmul.f32 v16, v17  }
0x41: {  	v17 =	vld [tilespmem:s18+$0x84B0]  }
0x42: {  	v18 =	vmul.f32 v18, v19;
	v16 =	vadd.f32 $0.0e+00, v16;
	_ =	sdelay $0x1  }
0x43: {  	v16 =	vadd.f32 v18, v16;
	v18 =	vmul.f32 v20, v21;
	_ =	sdelay $0x1  }
0x44: {  	v17 =	vmul.f32 v17, v22;
	v16 =	vadd.f32 v18, v16;
	_ =	sdelay $0x1  }
0x45: {  	v16 =	vadd.f32 v17, v16;
	_ =	sdelay $0x1  }
0x46: {  	[tilespmem:v2+s15+$0x0] =	vst.idx.msk $0xffff, v16  }
0x47: {  	v16 =	vld [tilespmem:s18+$0x4C0]  }
0x48: {  	v17 =	vld [tilespmem:s18+$0x84C0]  }
0x49: {  	v18 =	vld [tilespmem:s18+$0x84D0]  }
0x4a: {  	v19 =	vld [tilespmem:s18+$0x4D0]  }
0x4b: {  	v20 =	vld [tilespmem:s18+$0x84E0]  }
0x4c: {  	v21 =	vld [tilespmem:s18+$0x4E0]  }
0x4d: {  	v22 =	vld [tilespmem:s18+$0x4F0];
	v16 =	vmul.f32 v17, v16  }
0x4e: {  	v17 =	vld [tilespmem:s18+$0x84F0]  }
0x4f: {  	v18 =	vmul.f32 v18, v19;
	v16 =	vadd.f32 $0.0e+00, v16;
	_ =	sdelay $0x1  }
0x50: {  	v16 =	vadd.f32 v18, v16;
	v18 =	vmul.f32 v20, v21;
	_ =	sdelay $0x1  }
0x51: {  	v17 =	vmul.f32 v17, v22;
	v16 =	vadd.f32 v18, v16;
	_ =	sdelay $0x1  }
0x52: {  	v16 =	vadd.f32 v17, v16;
	_ =	sdelay $0x1  }
0x53: {  	[tilespmem:v3+s15+$0x0] =	vst.idx.msk $0xffff, v16  }
0x54: {  	v16 =	vld [tilespmem:s18+$0x500]  }
0x55: {  	v17 =	vld [tilespmem:s18+$0x8500]  }
0x56: {  	v18 =	vld [tilespmem:s18+$0x510]  }
0x57: {  	v19 =	vld [tilespmem:s18+$0x8510]  }
0x58: {  	v20 =	vld [tilespmem:s18+$0x520]  }
0x59: {  	v21 =	vld [tilespmem:s18+$0x8520]  }
0x5a: {  	v22 =	vld [tilespmem:s18+$0x8530];
	v16 =	vmul.f32 v17, v16  }
0x5b: {  	v17 =	vld [tilespmem:s18+$0x530]  }
0x5c: {  	v18 =	vmul.f32 v19, v18;
	v16 =	vadd.f32 $0.0e+00, v16;
	_ =	sdelay $0x1  }
0x5d: {  	v16 =	vadd.f32 v18, v16;
	v18 =	vmul.f32 v21, v20;
	_ =	sdelay $0x1  }
0x5e: {  	v17 =	vmul.f32 v22, v17;
	v16 =	vadd.f32 v18, v16;
	_ =	sdelay $0x1  }
0x5f: {  	v16 =	vadd.f32 v17, v16;
	_ =	sdelay $0x1  }
0x60: {  	[tilespmem:v4+s15+$0x0] =	vst.idx.msk $0xffff, v16  }
0x61: {  	v16 =	vld [tilespmem:s18+$0x540]  }
0x62: {  	v17 =	vld [tilespmem:s18+$0x8540]  }
0x63: {  	v18 =	vld [tilespmem:s18+$0x550]  }
0x64: {  	v19 =	vld [tilespmem:s18+$0x8550]  }
0x65: {  	v20 =	vld [tilespmem:s18+$0x560]  }
0x66: {  	v21 =	vld [tilespmem:s18+$0x8560]  }
0x67: {  	v22 =	vld [tilespmem:s18+$0x8570];
	v16 =	vmul.f32 v17, v16  }
0x68: {  	v17 =	vld [tilespmem:s18+$0x570]  }
0x69: {  	v18 =	vmul.f32 v19, v18;
	v16 =	vadd.f32 $0.0e+00, v16;
	_ =	sdelay $0x1  }
0x6a: {  	v16 =	vadd.f32 v18, v16;
	v18 =	vmul.f32 v21, v20;
	_ =	sdelay $0x1  }
0x6b: {  	v17 =	vmul.f32 v22, v17;
	v16 =	vadd.f32 v18, v16;
	_ =	sdelay $0x1  }
0x6c: {  	v16 =	vadd.f32 v17, v16;
	_ =	sdelay $0x1  }
0x6d: {  	[tilespmem:v5+s15+$0x0] =	vst.idx.msk $0xffff, v16  }
0x6e: {  	v16 =	vld [tilespmem:s18+$0x580]  }
0x6f: {  	v17 =	vld [tilespmem:s18+$0x8580]  }
0x70: {  	v18 =	vld [tilespmem:s18+$0x590]  }
0x71: {  	v19 =	vld [tilespmem:s18+$0x8590]  }
0x72: {  	v20 =	vld [tilespmem:s18+$0x5A0]  }
0x73: {  	v21 =	vld [tilespmem:s18+$0x85A0]  }
0x74: {  	v22 =	vld [tilespmem:s18+$0x85B0];
	v16 =	vmul.f32 v17, v16  }
0x75: {  	v17 =	vld [tilespmem:s18+$0x5B0]  }
0x76: {  	v18 =	vmul.f32 v19, v18;
	v16 =	vadd.f32 $0.0e+00, v16;
	_ =	sdelay $0x1  }
0x77: {  	v16 =	vadd.f32 v18, v16;
	v18 =	vmul.f32 v21, v20;
	_ =	sdelay $0x1  }
0x78: {  	v17 =	vmul.f32 v22, v17;
	v16 =	vadd.f32 v18, v16;
	_ =	sdelay $0x1  }
0x79: {  	v16 =	vadd.f32 v17, v16;
	_ =	sdelay $0x1  }
0x7a: {  	[tilespmem:v6+s15+$0x0] =	vst.idx.msk $0xffff, v16  }
0x7b: {  	v16 =	vld [tilespmem:s18+$0x5C0]  }
0x7c: {  	v17 =	vld [tilespmem:s18+$0x85C0]  }
0x7d: {  	v18 =	vld [tilespmem:s18+$0x5D0]  }
0x7e: {  	v19 =	vld [tilespmem:s18+$0x85D0]  }
0x7f: {  	v20 =	vld [tilespmem:s18+$0x5E0]  }
0x80: {  	v21 =	vld [tilespmem:s18+$0x85E0]  }
0x81: {  	v22 =	vld [tilespmem:s18+$0x5F0];
	v16 =	vmul.f32 v17, v16  }
0x82: {  	v17 =	vld [tilespmem:s18+$0x85F0]  }
0x83: {  	v18 =	vmul.f32 v19, v18;
	v16 =	vadd.f32 $0.0e+00, v16;
	_ =	sdelay $0x1  }
0x84: {  	v16 =	vadd.f32 v18, v16;
	v18 =	vmul.f32 v21, v20;
	_ =	sdelay $0x1  }
0x85: {  	v17 =	vmul.f32 v17, v22;
	v16 =	vadd.f32 v18, v16;
	_ =	sdelay $0x1  }
0x86: {  	v16 =	vadd.f32 v17, v16;
	_ =	sdelay $0x1  }
0x87: {  	[tilespmem:v7+s15+$0x0] =	vst.idx.msk $0xffff, v16  }
0x88: {  	v16 =	vld [tilespmem:s18+$0x600]  }
0x89: {  	v17 =	vld [tilespmem:s18+$0x8600]  }
0x8a: {  	v18 =	vld [tilespmem:s18+$0x8610]  }
0x8b: {  	v19 =	vld [tilespmem:s18+$0x610]  }
0x8c: {  	v20 =	vld [tilespmem:s18+$0x8620]  }
0x8d: {  	v21 =	vld [tilespmem:s18+$0x620]  }
0x8e: {  	v22 =	vld [tilespmem:s18+$0x8630];
	v16 =	vmul.f32 v17, v16  }
0x8f: {  	v17 =	vld [tilespmem:s18+$0x630]  }
0x90: {  	v18 =	vmul.f32 v18, v19;
	v16 =	vadd.f32 $0.0e+00, v16;
	_ =	sdelay $0x1  }
0x91: {  	v16 =	vadd.f32 v18, v16;
	v18 =	vmul.f32 v20, v21;
	_ =	sdelay $0x1  }
0x92: {  	v17 =	vmul.f32 v22, v17;
	v16 =	vadd.f32 v18, v16;
	_ =	sdelay $0x1  }
0x93: {  	v16 =	vadd.f32 v17, v16;
	_ =	sdelay $0x1  }
0x94: {  	[tilespmem:v8+s15+$0x0] =	vst.idx.msk $0xffff, v16  }
0x95: {  	v16 =	vld [tilespmem:s18+$0x640]  }
0x96: {  	v17 =	vld [tilespmem:s18+$0x8640]  }
0x97: {  	v18 =	vld [tilespmem:s18+$0x8650]  }
0x98: {  	v19 =	vld [tilespmem:s18+$0x650]  }
0x99: {  	v20 =	vld [tilespmem:s18+$0x660]  }
0x9a: {  	v21 =	vld [tilespmem:s18+$0x8660]  }
0x9b: {  	v22 =	vld [tilespmem:s18+$0x8670];
	v16 =	vmul.f32 v17, v16  }
0x9c: {  	v17 =	vld [tilespmem:s18+$0x670]  }
0x9d: {  	v18 =	vmul.f32 v18, v19;
	v16 =	vadd.f32 $0.0e+00, v16;
	_ =	sdelay $0x1  }
0x9e: {  	v16 =	vadd.f32 v18, v16;
	v18 =	vmul.f32 v21, v20;
	_ =	sdelay $0x1  }
0x9f: {  	v17 =	vmul.f32 v22, v17;
	v16 =	vadd.f32 v18, v16;
	_ =	sdelay $0x1  }
0xa0: {  	v16 =	vadd.f32 v17, v16;
	_ =	sdelay $0x1  }
0xa1: {  	[tilespmem:v9+s15+$0x0] =	vst.idx.msk $0xffff, v16  }
0xa2: {  	v16 =	vld [tilespmem:s18+$0x680]  }
0xa3: {  	v17 =	vld [tilespmem:s18+$0x8680]  }
0xa4: {  	v18 =	vld [tilespmem:s18+$0x690]  }
0xa5: {  	v19 =	vld [tilespmem:s18+$0x8690]  }
0xa6: {  	v20 =	vld [tilespmem:s18+$0x6A0]  }
0xa7: {  	v21 =	vld [tilespmem:s18+$0x86A0]  }
0xa8: {  	v22 =	vld [tilespmem:s18+$0x86B0];
	v16 =	vmul.f32 v17, v16  }
0xa9: {  	v17 =	vld [tilespmem:s18+$0x6B0]  }
0xaa: {  	v18 =	vmul.f32 v19, v18;
	v16 =	vadd.f32 $0.0e+00, v16;
	_ =	sdelay $0x1  }
0xab: {  	v16 =	vadd.f32 v18, v16;
	v18 =	vmul.f32 v21, v20;
	_ =	sdelay $0x1  }
0xac: {  	v17 =	vmul.f32 v22, v17;
	v16 =	vadd.f32 v18, v16;
	_ =	sdelay $0x1  }
0xad: {  	v16 =	vadd.f32 v17, v16;
	_ =	sdelay $0x1  }
0xae: {  	[tilespmem:v10+s15+$0x0] =	vst.idx.msk $0xffff, v16  }
0xaf: {  	v16 =	vld [tilespmem:s18+$0x6C0]  }
0xb0: {  	v17 =	vld [tilespmem:s18+$0x86C0]  }
0xb1: {  	v18 =	vld [tilespmem:s18+$0x6D0]  }
0xb2: {  	v19 =	vld [tilespmem:s18+$0x86D0]  }
0xb3: {  	v20 =	vld [tilespmem:s18+$0x6E0]  }
0xb4: {  	v21 =	vld [tilespmem:s18+$0x86E0]  }
0xb5: {  	v22 =	vld [tilespmem:s18+$0x86F0];
	v16 =	vmul.f32 v17, v16  }
0xb6: {  	v17 =	vld [tilespmem:s18+$0x6F0]  }
0xb7: {  	v18 =	vmul.f32 v19, v18;
	v16 =	vadd.f32 $0.0e+00, v16;
	_ =	sdelay $0x1  }
0xb8: {  	v16 =	vadd.f32 v18, v16;
	v18 =	vmul.f32 v21, v20;
	_ =	sdelay $0x1  }
0xb9: {  	v17 =	vmul.f32 v22, v17;
	v16 =	vadd.f32 v18, v16;
	_ =	sdelay $0x1  }
0xba: {  	v16 =	vadd.f32 v17, v16;
	_ =	sdelay $0x1  }
0xbb: {  	[tilespmem:v11+s15+$0x0] =	vst.idx.msk $0xffff, v16  }
0xbc: {  	v16 =	vld [tilespmem:s18+$0x700]  }
0xbd: {  	v17 =	vld [tilespmem:s18+$0x8700]  }
0xbe: {  	v18 =	vld [tilespmem:s18+$0x710]  }
0xbf: {  	v19 =	vld [tilespmem:s18+$0x8710]  }
0xc0: {  	v20 =	vld [tilespmem:s18+$0x720]  }
0xc1: {  	v21 =	vld [tilespmem:s18+$0x8720]  }
0xc2: {  	v22 =	vld [tilespmem:s18+$0x730];
	v16 =	vmul.f32 v17, v16  }
0xc3: {  	v17 =	vld [tilespmem:s18+$0x8730]  }
0xc4: {  	v18 =	vmul.f32 v19, v18;
	v16 =	vadd.f32 $0.0e+00, v16;
	_ =	sdelay $0x1  }
0xc5: {  	v19 =	vmul.f32 v21, v20;
	v16 =	vadd.f32 v18, v16;
	_ =	sdelay $0x1  }
0xc6: {  	v17 =	vmul.f32 v17, v22;
	v16 =	vadd.f32 v19, v16;
	_ =	sdelay $0x1  }
0xc7: {  	v16 =	vadd.f32 v17, v16;
	_ =	sdelay $0x1  }
0xc8: {  	[tilespmem:v12+s15+$0x0] =	vst.idx.msk $0xffff, v16  }
0xc9: {  	v16 =	vld [tilespmem:s18+$0x740]  }
0xca: {  	v17 =	vld [tilespmem:s18+$0x8740]  }
0xcb: {  	v18 =	vld [tilespmem:s18+$0x750]  }
0xcc: {  	v19 =	vld [tilespmem:s18+$0x8750]  }
0xcd: {  	v20 =	vld [tilespmem:s18+$0x760]  }
0xce: {  	v21 =	vld [tilespmem:s18+$0x8760]  }
0xcf: {  	v22 =	vld [tilespmem:s18+$0x8770];
	v16 =	vmul.f32 v17, v16  }
0xd0: {  	v17 =	vld [tilespmem:s18+$0x770]  }
0xd1: {  	v18 =	vmul.f32 v19, v18;
	v16 =	vadd.f32 $0.0e+00, v16;
	_ =	sdelay $0x1  }
0xd2: {  	v16 =	vadd.f32 v18, v16;
	v18 =	vmul.f32 v21, v20;
	_ =	sdelay $0x1  }
0xd3: {  	v17 =	vmul.f32 v22, v17;
	v16 =	vadd.f32 v18, v16;
	_ =	sdelay $0x1  }
0xd4: {  	v16 =	vadd.f32 v17, v16;
	_ =	sdelay $0x1  }
0xd5: {  	[tilespmem:v13+s15+$0x0] =	vst.idx.msk $0xffff, v16  }
0xd6: {  	v16 =	vld [tilespmem:s18+$0x780]  }
0xd7: {  	v17 =	vld [tilespmem:s18+$0x8780]  }
0xd8: {  	v18 =	vld [tilespmem:s18+$0x790]  }
0xd9: {  	v19 =	vld [tilespmem:s18+$0x8790]  }
0xda: {  	v20 =	vld [tilespmem:s18+$0x7A0]  }
0xdb: {  	v21 =	vld [tilespmem:s18+$0x87A0]  }
0xdc: {  	v22 =	vld [tilespmem:s18+$0x87B0];
	v16 =	vmul.f32 v17, v16  }
0xdd: {  	v17 =	vld [tilespmem:s18+$0x7B0]  }
0xde: {  	v18 =	vmul.f32 v19, v18;
	v16 =	vadd.f32 $0.0e+00, v16;
	_ =	sdelay $0x1  }
0xdf: {  	v16 =	vadd.f32 v18, v16;
	v18 =	vmul.f32 v21, v20;
	_ =	sdelay $0x1  }
0xe0: {  	v17 =	vmul.f32 v22, v17;
	v16 =	vadd.f32 v18, v16;
	_ =	sdelay $0x1  }
0xe1: {  	v16 =	vadd.f32 v17, v16;
	_ =	sdelay $0x1  }
0xe2: {  	[tilespmem:v14+s15+$0x0] =	vst.idx.msk $0xffff, v16  }
0xe3: {  	v16 =	vld [tilespmem:s18+$0x7C0]  }
0xe4: {  	v17 =	vld [tilespmem:s18+$0x87C0]  }
0xe5: {  	v18 =	vld [tilespmem:s18+$0x7D0]  }
0xe6: {  	v19 =	vld [tilespmem:s18+$0x87D0]  }
0xe7: {  	v20 =	vld [tilespmem:s18+$0x7E0]  }
0xe8: {  	v21 =	vld [tilespmem:s18+$0x87E0]  }
0xe9: {  	v22 =	vld [tilespmem:s18+$0x87F0];
	v16 =	vmul.f32 v17, v16  }
0xea: {  	v17 =	vld [tilespmem:s18+$0x7F0]  }
0xeb: {  	v18 =	vmul.f32 v19, v18;
	v16 =	vadd.f32 $0.0e+00, v16;
	_ =	sdelay $0x1  }
0xec: {  	v16 =	vadd.f32 v18, v16;
	v18 =	vmul.f32 v21, v20;
	_ =	sdelay $0x1  }
0xed: {  	v17 =	vmul.f32 v22, v17;
	v16 =	vadd.f32 v18, v16;
	_ =	sdelay $0x1  }
0xee: {  	v16 =	vadd.f32 v17, v16;
	_ =	sdelay $0x1  }
0xef: {  	[tilespmem:v15+s15+$0x0] =	vst.idx.msk $0xffff, v16  }
0xf0: {  	v16 =	vld [tilespmem:$0x10400]  }
0xf1: {  	v17 =	vld [tilespmem:$0x10410]  }
0xf2: {  	v18 =	vld [tilespmem:$0x10420]  }
0xf3: {  	v19 =	vld [tilespmem:$0x10430]  }
0xf4: {  	v24 =	vld [tilespmem:$0x10440]  }
0xf5: {  	v23 =	vld [tilespmem:$0x10450]  }
0xf6: {  	v20 =	vld [tilespmem:$0x10460];
	v16 =	vadd.f32 v17, v16  }
0xf7: {  	v21 =	vld [tilespmem:$0x10480]  }
0xf8: {  	v22 =	vld [tilespmem:$0x104A0];
	v16 =	vadd.f32 v18, v16  }
0xf9: {  	v17 =	vld [tilespmem:$0x10470]  }
0xfa: {  	v18 =	vld [tilespmem:$0x10490];
	v19 =	vadd.f32 v19, v16  }
0xfb: {  	v16 =	vld [tilespmem:$0x104B0]  }
0xfc: {  	s19 =	simm.s32 $0x1000;
	s20 =	simm.s32 $0x10500;
	s18 =	simm.s32 $0x10500;
	v24 =	vadd.f32 v24, v19;
	v19 =	vld [tilespmem:$0x104C0]  }
.LBB2_2:
0xfd: {  	p0 =	sne.s32 s19, $0x1F000  }
0xfe: {  	v25 =	vld [tilespmem:$0x104D0];
	s20 =	sadd.s32 $0x10, s20;
	s21 =	smov.u32 s19;
	s19 =	sadd.s32 $0x1000, s19  }
0xff: {  	v23 =	vadd.f32 v23, v24;
	v24 =	vld [tilespmem:$0x104E0]  }
0x100: {  	v26 =	vld [tilespmem:$0x104F0]  }
0x101: {  	v20 =	vadd.f32 v20, v23;
	_ =	sdelay $0x1  }
0x102: {  	v17 =	vadd.f32 v17, v20;
	_ =	sdelay $0x1  }
0x103: {  	v17 =	vadd.f32 v21, v17;
	_ =	sdelay $0x1  }
0x104: {  	v17 =	vadd.f32 v18, v17;
	_ =	sdelay $0x1  }
0x105: {  	v17 =	vadd.f32 v22, v17;
	_ =	sdelay $0x1  }
0x106: {  	v16 =	vadd.f32 v16, v17;
	_ =	sdelay $0x1  }
0x107: {  	v16 =	vadd.f32 v19, v16;
	_ =	sdelay $0x1  }
0x108: {  	v16 =	vadd.f32 v25, v16;
	_ =	sdelay $0x1  }
0x109: {  	v16 =	vadd.f32 v24, v16;
	_ =	sdelay $0x1  }
0x10a: {  	v16 =	vadd.f32 v26, v16  }
0x10b: {  	s21 =	sshra.s32 s21, $0x2  }
0x10c: {  	[tilespmem:s18+$0x0] =	vst v16;
	s18 =	smov.u32 s20  }
0x10d: {  	v16 =	vld [tilespmem:s21+$0x8400]  }
0x10e: {  	v17 =	vld [tilespmem:s21+$0x8410]  }
0x10f: {  	v18 =	vld [tilespmem:s21+$0x400];
	_ =	sdelay $0x1  }
0x110: {  	v19 =	vld [tilespmem:s21+$0x410]  }
0x111: {  	v20 =	vld [tilespmem:s21+$0x8420]  }
0x112: {  	v21 =	vld [tilespmem:s21+$0x420]  }
0x113: {  	v16 =	vmul.f32 v16, v18;
	v18 =	vld [tilespmem:s21+$0x8430]  }
0x114: {  	v22 =	vld [tilespmem:s21+$0x430]  }
0x115: {  	v16 =	vadd.f32 $0.0e+00, v16;
	v17 =	vmul.f32 v17, v19;
	_ =	sdelay $0x1  }
0x116: {  	v16 =	vadd.f32 v17, v16;
	v17 =	vmul.f32 v20, v21;
	_ =	sdelay $0x1  }
0x117: {  	v16 =	vadd.f32 v17, v16;
	v17 =	vmul.f32 v18, v22;
	_ =	sdelay $0x1  }
0x118: {  	v16 =	vadd.f32 v17, v16;
	_ =	sdelay $0x1  }
0x119: {  	[tilespmem:v0+s15+$0x0] =	vst.idx.msk $0xffff, v16  }
0x11a: {  	v16 =	vld [tilespmem:s21+$0x440]  }
0x11b: {  	v17 =	vld [tilespmem:s21+$0x8440]  }
0x11c: {  	v18 =	vld [tilespmem:s21+$0x8450]  }
0x11d: {  	v19 =	vld [tilespmem:s21+$0x450]  }
0x11e: {  	v20 =	vld [tilespmem:s21+$0x8460]  }
0x11f: {  	v21 =	vld [tilespmem:s21+$0x460]  }
0x120: {  	v16 =	vmul.f32 v17, v16;
	v17 =	vld [tilespmem:s21+$0x8470]  }
0x121: {  	v22 =	vld [tilespmem:s21+$0x470]  }
0x122: {  	v16 =	vadd.f32 $0.0e+00, v16;
	v18 =	vmul.f32 v18, v19;
	_ =	sdelay $0x1  }
0x123: {  	v16 =	vadd.f32 v18, v16;
	v18 =	vmul.f32 v20, v21;
	_ =	sdelay $0x1  }
0x124: {  	v16 =	vadd.f32 v18, v16;
	v17 =	vmul.f32 v17, v22;
	_ =	sdelay $0x1  }
0x125: {  	v16 =	vadd.f32 v17, v16;
	_ =	sdelay $0x1  }
0x126: {  	[tilespmem:v1+s15+$0x0] =	vst.idx.msk $0xffff, v16  }
0x127: {  	v16 =	vld [tilespmem:s21+$0x8480]  }
0x128: {  	v17 =	vld [tilespmem:s21+$0x480]  }
0x129: {  	v18 =	vld [tilespmem:s21+$0x8490]  }
0x12a: {  	v19 =	vld [tilespmem:s21+$0x490]  }
0x12b: {  	v20 =	vld [tilespmem:s21+$0x84A0]  }
0x12c: {  	v21 =	vld [tilespmem:s21+$0x4A0]  }
0x12d: {  	v16 =	vmul.f32 v16, v17;
	v17 =	vld [tilespmem:s21+$0x84B0]  }
0x12e: {  	v22 =	vld [tilespmem:s21+$0x4B0]  }
0x12f: {  	v16 =	vadd.f32 $0.0e+00, v16;
	v18 =	vmul.f32 v18, v19;
	_ =	sdelay $0x1  }
0x130: {  	v16 =	vadd.f32 v18, v16;
	v18 =	vmul.f32 v20, v21;
	_ =	sdelay $0x1  }
0x131: {  	v16 =	vadd.f32 v18, v16;
	v17 =	vmul.f32 v17, v22;
	_ =	sdelay $0x1  }
0x132: {  	v16 =	vadd.f32 v17, v16;
	_ =	sdelay $0x1  }
0x133: {  	[tilespmem:v2+s15+$0x0] =	vst.idx.msk $0xffff, v16  }
0x134: {  	v16 =	vld [tilespmem:s21+$0x4C0]  }
0x135: {  	v17 =	vld [tilespmem:s21+$0x84C0]  }
0x136: {  	v18 =	vld [tilespmem:s21+$0x84D0]  }
0x137: {  	v19 =	vld [tilespmem:s21+$0x4D0]  }
0x138: {  	v20 =	vld [tilespmem:s21+$0x84E0]  }
0x139: {  	v21 =	vld [tilespmem:s21+$0x4E0]  }
0x13a: {  	v16 =	vmul.f32 v17, v16;
	v17 =	vld [tilespmem:s21+$0x84F0]  }
0x13b: {  	v22 =	vld [tilespmem:s21+$0x4F0]  }
0x13c: {  	v16 =	vadd.f32 $0.0e+00, v16;
	v18 =	vmul.f32 v18, v19;
	_ =	sdelay $0x1  }
0x13d: {  	v16 =	vadd.f32 v18, v16;
	v18 =	vmul.f32 v20, v21;
	_ =	sdelay $0x1  }
0x13e: {  	v16 =	vadd.f32 v18, v16;
	v17 =	vmul.f32 v17, v22;
	_ =	sdelay $0x1  }
0x13f: {  	v16 =	vadd.f32 v17, v16;
	_ =	sdelay $0x1  }
0x140: {  	[tilespmem:v3+s15+$0x0] =	vst.idx.msk $0xffff, v16  }
0x141: {  	v16 =	vld [tilespmem:s21+$0x500]  }
0x142: {  	v17 =	vld [tilespmem:s21+$0x8500]  }
0x143: {  	v18 =	vld [tilespmem:s21+$0x510]  }
0x144: {  	v19 =	vld [tilespmem:s21+$0x8510]  }
0x145: {  	v20 =	vld [tilespmem:s21+$0x520]  }
0x146: {  	v21 =	vld [tilespmem:s21+$0x8520]  }
0x147: {  	v16 =	vmul.f32 v17, v16;
	v17 =	vld [tilespmem:s21+$0x530]  }
0x148: {  	v22 =	vld [tilespmem:s21+$0x8530]  }
0x149: {  	v16 =	vadd.f32 $0.0e+00, v16;
	v18 =	vmul.f32 v19, v18;
	_ =	sdelay $0x1  }
0x14a: {  	v16 =	vadd.f32 v18, v16;
	v18 =	vmul.f32 v21, v20;
	_ =	sdelay $0x1  }
0x14b: {  	v16 =	vadd.f32 v18, v16;
	v17 =	vmul.f32 v22, v17;
	_ =	sdelay $0x1  }
0x14c: {  	v16 =	vadd.f32 v17, v16;
	_ =	sdelay $0x1  }
0x14d: {  	[tilespmem:v4+s15+$0x0] =	vst.idx.msk $0xffff, v16  }
0x14e: {  	v16 =	vld [tilespmem:s21+$0x540]  }
0x14f: {  	v17 =	vld [tilespmem:s21+$0x8540]  }
0x150: {  	v18 =	vld [tilespmem:s21+$0x550]  }
0x151: {  	v19 =	vld [tilespmem:s21+$0x8550]  }
0x152: {  	v20 =	vld [tilespmem:s21+$0x560]  }
0x153: {  	v21 =	vld [tilespmem:s21+$0x8560]  }
0x154: {  	v16 =	vmul.f32 v17, v16;
	v17 =	vld [tilespmem:s21+$0x570]  }
0x155: {  	v22 =	vld [tilespmem:s21+$0x8570]  }
0x156: {  	v16 =	vadd.f32 $0.0e+00, v16;
	v18 =	vmul.f32 v19, v18;
	_ =	sdelay $0x1  }
0x157: {  	v16 =	vadd.f32 v18, v16;
	v18 =	vmul.f32 v21, v20;
	_ =	sdelay $0x1  }
0x158: {  	v16 =	vadd.f32 v18, v16;
	v17 =	vmul.f32 v22, v17;
	_ =	sdelay $0x1  }
0x159: {  	v16 =	vadd.f32 v17, v16;
	_ =	sdelay $0x1  }
0x15a: {  	[tilespmem:v5+s15+$0x0] =	vst.idx.msk $0xffff, v16  }
0x15b: {  	v16 =	vld [tilespmem:s21+$0x580]  }
0x15c: {  	v17 =	vld [tilespmem:s21+$0x8580]  }
0x15d: {  	v18 =	vld [tilespmem:s21+$0x590]  }
0x15e: {  	v19 =	vld [tilespmem:s21+$0x8590]  }
0x15f: {  	v20 =	vld [tilespmem:s21+$0x5A0]  }
0x160: {  	v21 =	vld [tilespmem:s21+$0x85A0]  }
0x161: {  	v16 =	vmul.f32 v17, v16;
	v17 =	vld [tilespmem:s21+$0x5B0]  }
0x162: {  	v22 =	vld [tilespmem:s21+$0x85B0]  }
0x163: {  	v16 =	vadd.f32 $0.0e+00, v16;
	v18 =	vmul.f32 v19, v18;
	_ =	sdelay $0x1  }
0x164: {  	v16 =	vadd.f32 v18, v16;
	v18 =	vmul.f32 v21, v20;
	_ =	sdelay $0x1  }
0x165: {  	v16 =	vadd.f32 v18, v16;
	v17 =	vmul.f32 v22, v17;
	_ =	sdelay $0x1  }
0x166: {  	v16 =	vadd.f32 v17, v16;
	_ =	sdelay $0x1  }
0x167: {  	[tilespmem:v6+s15+$0x0] =	vst.idx.msk $0xffff, v16  }
0x168: {  	v16 =	vld [tilespmem:s21+$0x5C0]  }
0x169: {  	v17 =	vld [tilespmem:s21+$0x85C0]  }
0x16a: {  	v18 =	vld [tilespmem:s21+$0x5D0]  }
0x16b: {  	v19 =	vld [tilespmem:s21+$0x85D0]  }
0x16c: {  	v20 =	vld [tilespmem:s21+$0x5E0]  }
0x16d: {  	v21 =	vld [tilespmem:s21+$0x85E0]  }
0x16e: {  	v16 =	vmul.f32 v17, v16;
	v17 =	vld [tilespmem:s21+$0x85F0]  }
0x16f: {  	v22 =	vld [tilespmem:s21+$0x5F0]  }
0x170: {  	v16 =	vadd.f32 $0.0e+00, v16;
	v18 =	vmul.f32 v19, v18;
	_ =	sdelay $0x1  }
0x171: {  	v16 =	vadd.f32 v18, v16;
	v18 =	vmul.f32 v21, v20;
	_ =	sdelay $0x1  }
0x172: {  	v16 =	vadd.f32 v18, v16;
	v17 =	vmul.f32 v17, v22;
	_ =	sdelay $0x1  }
0x173: {  	v16 =	vadd.f32 v17, v16;
	_ =	sdelay $0x1  }
0x174: {  	[tilespmem:v7+s15+$0x0] =	vst.idx.msk $0xffff, v16  }
0x175: {  	v16 =	vld [tilespmem:s21+$0x600]  }
0x176: {  	v17 =	vld [tilespmem:s21+$0x8600]  }
0x177: {  	v18 =	vld [tilespmem:s21+$0x8630]  }
0x178: {  	v19 =	vld [tilespmem:s21+$0x8610]  }
0x179: {  	v20 =	vld [tilespmem:s21+$0x630]  }
0x17a: {  	v21 =	vld [tilespmem:s21+$0x610]  }
0x17b: {  	v16 =	vmul.f32 v17, v16;
	v17 =	vld [tilespmem:s21+$0x8620]  }
0x17c: {  	v22 =	vld [tilespmem:s21+$0x620]  }
0x17d: {  	v16 =	vadd.f32 $0.0e+00, v16;
	_ =	sdelay $0x1  }
0x17e: {  	v19 =	vmul.f32 v19, v21;
	_ =	sdelay $0x1  }
0x17f: {  	v18 =	vmul.f32 v18, v20;
	v16 =	vadd.f32 v19, v16;
	v17 =	vmul.f32 v17, v22;
	_ =	sdelay $0x1  }
0x180: {  	v16 =	vadd.f32 v17, v16;
	_ =	sdelay $0x1  }
0x181: {  	v16 =	vadd.f32 v18, v16;
	_ =	sdelay $0x1  }
0x182: {  	[tilespmem:v8+s15+$0x0] =	vst.idx.msk $0xffff, v16  }
0x183: {  	v16 =	vld [tilespmem:s21+$0x640]  }
0x184: {  	v17 =	vld [tilespmem:s21+$0x8640]  }
0x185: {  	v18 =	vld [tilespmem:s21+$0x8650]  }
0x186: {  	v19 =	vld [tilespmem:s21+$0x650]  }
0x187: {  	v20 =	vld [tilespmem:s21+$0x660]  }
0x188: {  	v21 =	vld [tilespmem:s21+$0x8660]  }
0x189: {  	v16 =	vmul.f32 v17, v16;
	v17 =	vld [tilespmem:s21+$0x670]  }
0x18a: {  	v22 =	vld [tilespmem:s21+$0x8670]  }
0x18b: {  	v16 =	vadd.f32 $0.0e+00, v16;
	v18 =	vmul.f32 v18, v19;
	_ =	sdelay $0x1  }
0x18c: {  	v16 =	vadd.f32 v18, v16;
	v18 =	vmul.f32 v21, v20;
	_ =	sdelay $0x1  }
0x18d: {  	v16 =	vadd.f32 v18, v16;
	v17 =	vmul.f32 v22, v17;
	_ =	sdelay $0x1  }
0x18e: {  	v16 =	vadd.f32 v17, v16;
	_ =	sdelay $0x1  }
0x18f: {  	[tilespmem:v9+s15+$0x0] =	vst.idx.msk $0xffff, v16  }
0x190: {  	v16 =	vld [tilespmem:s21+$0x680]  }
0x191: {  	v17 =	vld [tilespmem:s21+$0x8680]  }
0x192: {  	v18 =	vld [tilespmem:s21+$0x690]  }
0x193: {  	v19 =	vld [tilespmem:s21+$0x8690]  }
0x194: {  	v20 =	vld [tilespmem:s21+$0x6A0]  }
0x195: {  	v21 =	vld [tilespmem:s21+$0x86A0]  }
0x196: {  	v16 =	vmul.f32 v17, v16;
	v17 =	vld [tilespmem:s21+$0x6B0]  }
0x197: {  	v22 =	vld [tilespmem:s21+$0x86B0]  }
0x198: {  	v16 =	vadd.f32 $0.0e+00, v16;
	v18 =	vmul.f32 v19, v18;
	_ =	sdelay $0x1  }
0x199: {  	v16 =	vadd.f32 v18, v16;
	v18 =	vmul.f32 v21, v20;
	_ =	sdelay $0x1  }
0x19a: {  	v16 =	vadd.f32 v18, v16;
	v17 =	vmul.f32 v22, v17;
	_ =	sdelay $0x1  }
0x19b: {  	v16 =	vadd.f32 v17, v16;
	_ =	sdelay $0x1  }
0x19c: {  	[tilespmem:v10+s15+$0x0] =	vst.idx.msk $0xffff, v16  }
0x19d: {  	v16 =	vld [tilespmem:s21+$0x6C0]  }
0x19e: {  	v17 =	vld [tilespmem:s21+$0x86C0]  }
0x19f: {  	v18 =	vld [tilespmem:s21+$0x6D0]  }
0x1a0: {  	v19 =	vld [tilespmem:s21+$0x86D0]  }
0x1a1: {  	v20 =	vld [tilespmem:s21+$0x6E0]  }
0x1a2: {  	v21 =	vld [tilespmem:s21+$0x86E0]  }
0x1a3: {  	v16 =	vmul.f32 v17, v16;
	v17 =	vld [tilespmem:s21+$0x6F0]  }
0x1a4: {  	v22 =	vld [tilespmem:s21+$0x86F0]  }
0x1a5: {  	v16 =	vadd.f32 $0.0e+00, v16;
	v18 =	vmul.f32 v19, v18;
	_ =	sdelay $0x1  }
0x1a6: {  	v16 =	vadd.f32 v18, v16;
	v18 =	vmul.f32 v21, v20;
	_ =	sdelay $0x1  }
0x1a7: {  	v16 =	vadd.f32 v18, v16;
	v17 =	vmul.f32 v22, v17;
	_ =	sdelay $0x1  }
0x1a8: {  	v16 =	vadd.f32 v17, v16;
	_ =	sdelay $0x1  }
0x1a9: {  	[tilespmem:v11+s15+$0x0] =	vst.idx.msk $0xffff, v16  }
0x1aa: {  	v16 =	vld [tilespmem:s21+$0x700]  }
0x1ab: {  	v17 =	vld [tilespmem:s21+$0x710]  }
0x1ac: {  	v18 =	vld [tilespmem:s21+$0x8710]  }
0x1ad: {  	v19 =	vld [tilespmem:s21+$0x8700]  }
0x1ae: {  	v20 =	vld [tilespmem:s21+$0x720]  }
0x1af: {  	v21 =	vld [tilespmem:s21+$0x8720]  }
0x1b0: {  	v22 =	vld [tilespmem:s21+$0x730]  }
0x1b1: {  	v23 =	vld [tilespmem:s21+$0x8730]  }
0x1b2: {  	v17 =	vmul.f32 v18, v17;
	v16 =	vmul.f32 v19, v16;
	_ =	sdelay $0x1  }
0x1b3: {  	v16 =	vadd.f32 $0.0e+00, v16;
	v18 =	vmul.f32 v21, v20;
	_ =	sdelay $0x1  }
0x1b4: {  	v16 =	vadd.f32 v17, v16;
	v17 =	vmul.f32 v23, v22;
	_ =	sdelay $0x1  }
0x1b5: {  	v16 =	vadd.f32 v18, v16;
	_ =	sdelay $0x1  }
0x1b6: {  	v16 =	vadd.f32 v17, v16;
	_ =	sdelay $0x1  }
0x1b7: {  	[tilespmem:v12+s15+$0x0] =	vst.idx.msk $0xffff, v16  }
0x1b8: {  	v16 =	vld [tilespmem:s21+$0x740]  }
0x1b9: {  	v17 =	vld [tilespmem:s21+$0x8740]  }
0x1ba: {  	v18 =	vld [tilespmem:s21+$0x750]  }
0x1bb: {  	v19 =	vld [tilespmem:s21+$0x8750]  }
0x1bc: {  	v20 =	vld [tilespmem:s21+$0x760]  }
0x1bd: {  	v21 =	vld [tilespmem:s21+$0x8760]  }
0x1be: {  	v16 =	vmul.f32 v17, v16;
	v17 =	vld [tilespmem:s21+$0x770]  }
0x1bf: {  	v22 =	vld [tilespmem:s21+$0x8770]  }
0x1c0: {  	v16 =	vadd.f32 $0.0e+00, v16;
	v18 =	vmul.f32 v19, v18;
	_ =	sdelay $0x1  }
0x1c1: {  	v16 =	vadd.f32 v18, v16;
	v18 =	vmul.f32 v21, v20;
	_ =	sdelay $0x1  }
0x1c2: {  	v16 =	vadd.f32 v18, v16;
	v17 =	vmul.f32 v22, v17;
	_ =	sdelay $0x1  }
0x1c3: {  	v16 =	vadd.f32 v17, v16;
	_ =	sdelay $0x1  }
0x1c4: {  	[tilespmem:v13+s15+$0x0] =	vst.idx.msk $0xffff, v16  }
0x1c5: {  	v16 =	vld [tilespmem:s21+$0x780]  }
0x1c6: {  	v17 =	vld [tilespmem:s21+$0x8780]  }
0x1c7: {  	v18 =	vld [tilespmem:s21+$0x790]  }
0x1c8: {  	v19 =	vld [tilespmem:s21+$0x8790]  }
0x1c9: {  	v20 =	vld [tilespmem:s21+$0x7A0]  }
0x1ca: {  	v21 =	vld [tilespmem:s21+$0x87A0]  }
0x1cb: {  	v16 =	vmul.f32 v17, v16;
	v17 =	vld [tilespmem:s21+$0x7B0]  }
0x1cc: {  	v22 =	vld [tilespmem:s21+$0x87B0]  }
0x1cd: {  	v16 =	vadd.f32 $0.0e+00, v16;
	v18 =	vmul.f32 v19, v18;
	_ =	sdelay $0x1  }
0x1ce: {  	v16 =	vadd.f32 v18, v16;
	v18 =	vmul.f32 v21, v20;
	_ =	sdelay $0x1  }
0x1cf: {  	v16 =	vadd.f32 v18, v16;
	v17 =	vmul.f32 v22, v17;
	_ =	sdelay $0x1  }
0x1d0: {  	v16 =	vadd.f32 v17, v16;
	_ =	sdelay $0x1  }
0x1d1: {  	[tilespmem:v14+s15+$0x0] =	vst.idx.msk $0xffff, v16  }
0x1d2: {  	v16 =	vld [tilespmem:s21+$0x7C0]  }
0x1d3: {  	v17 =	vld [tilespmem:s21+$0x87C0]  }
0x1d4: {  	v18 =	vld [tilespmem:s21+$0x7D0]  }
0x1d5: {  	v19 =	vld [tilespmem:s21+$0x87D0]  }
0x1d6: {  	v20 =	vld [tilespmem:s21+$0x7E0]  }
0x1d7: {  	v21 =	vld [tilespmem:s21+$0x87E0]  }
0x1d8: {  	v16 =	vmul.f32 v17, v16;
	v17 =	vld [tilespmem:s21+$0x7F0]  }
0x1d9: {  	v22 =	vld [tilespmem:s21+$0x87F0]  }
0x1da: {  	v16 =	vadd.f32 $0.0e+00, v16;
	v18 =	vmul.f32 v19, v18;
	_ =	sdelay $0x1  }
0x1db: {  	v16 =	vadd.f32 v18, v16;
	v18 =	vmul.f32 v21, v20;
	_ =	sdelay $0x1  }
0x1dc: {  	v16 =	vadd.f32 v18, v16;
	v17 =	vmul.f32 v22, v17;
	_ =	sdelay $0x1  }
0x1dd: {  	v16 =	vadd.f32 v17, v16;
	_ =	sdelay $0x1  }
0x1de: {  	[tilespmem:v15+s15+$0x0] =	vst.idx.msk $0xffff, v16  }
0x1df: {  	v16 =	vld [tilespmem:$0x10400]  }
0x1e0: {  	v17 =	vld [tilespmem:$0x10410]  }
0x1e1: {  	v18 =	vld [tilespmem:$0x10420]  }
0x1e2: {  	v19 =	vld [tilespmem:$0x10430]  }
0x1e3: {  	v24 =	vld [tilespmem:$0x10440]  }
0x1e4: {  	v23 =	vld [tilespmem:$0x10450]  }
0x1e5: {  	v16 =	vadd.f32 v17, v16;
	v20 =	vld [tilespmem:$0x10460]  }
0x1e6: {  	v17 =	vld [tilespmem:$0x10470]  }
.Ltmp0:
0x1e7: {  	v16 =	vadd.f32 v18, v16;
	v21 =	vld [tilespmem:$0x10480];
	(pc) =	sbr.rel @p0 .LBB2_2-.Ltmp0, $4  }
0x1e8: {  	v18 =	vld [tilespmem:$0x10490]  }
0x1e9: {  	v19 =	vadd.f32 v19, v16;
	v22 =	vld [tilespmem:$0x104A0]  }
0x1ea: {  	v16 =	vld [tilespmem:$0x104B0]  }
0x1eb: {  	v24 =	vadd.f32 v24, v19;
	v19 =	vld [tilespmem:$0x104C0]  }
0x1ec: {  	_ = 	snop  }
0x1ed: {  	v23 =	vadd.f32 v23, v24;
	_ =	sdelay $0x1  }
0x1ee: {  	v20 =	vadd.f32 v20, v23;
	_ =	sdelay $0x1  }
0x1ef: {  	v17 =	vadd.f32 v17, v20;
	_ =	sdelay $0x1  }
0x1f0: {  	v17 =	vadd.f32 v21, v17;
	_ =	sdelay $0x1  }
0x1f1: {  	v17 =	vadd.f32 v18, v17;
	_ =	sdelay $0x1  }
0x1f2: {  	v17 =	vadd.f32 v22, v17  }
0x1f3: {  	v62 =	vld [tilespmem:$0x104D0]  }
0x1f4: {  	v16 =	vadd.f32 v16, v17  }
0x1f5: {  	v17 =	vld [tilespmem:$0x104E0]  }
0x1f6: {  	v16 =	vadd.f32 v19, v16  }
0x1f7: {  	v63 =	vld [tilespmem:$0x104F0]  }
0x1f8: {  	v16 =	vadd.f32 v62, v16;
	_ =	sdelay $0x1  }
0x1f9: {  	v16 =	vadd.f32 v17, v16;
	_ =	sdelay $0x1  }
0x1fa: {  	s17 =	sadd.s32 $0x1, s17;
	v16 =	vadd.f32 v63, v16  }
0x1fb: {  	p0 =	sne.s32 s17, s8  }
.Ltmp1:
0x1fc: {  	[tilespmem:s18+$0x0] =	vst v16;
	(pc) =	sbr.rel @p0 .LBB2_1-.Ltmp1, $4  }
0x1fd: {  	[hbm4b:s7+s2] =	stream.linear.scatter [tilespmem:s16], [sflag:$0x3], $0x200, $0x38;
	[tilespmem:$0x10700] =	vst v63  }
0x1fe: {  	_ =	swait.ge [sflag:s9], $0x200  }
0x1ff: {  	[sflag:s9] =	ssyncset.done $0x0  }
0x200: {  	[sflag:s9] =	ssyncadd.s32 $0xFFFFFE00  }
0x201: {  	_ =	sfence.sel $0x180000  }
0x202: {  	[bflag:$0x0] =	sbarrier.arrive $0xFFFF  }
0x203: {  	p0 =	sne.s32 s1, $0x0;
	_ =	strace $0x90000047  }
0x204: {  	s0 =	sadd.s32 @!p0 $0x100000, s0;
	[bflag:$0x2] =	sbarrier.arrive $0xFFFF  }
0x205: {  	[sflag:s0] =	ssyncadd.tile.s32 @!p0 $0x1;
	_ =	shalt  }
.Lfunc_end2:
_tile_overlayer_lowered:
.L_overlay_start_2:
0x206: {  	(tag) =	ssettag $0x2  }
0x207: {  	s0 =	rddreg [dreg:$0x0];
	s2 =	stileid.u32  }
0x208: {  	s1 =	rddreg [dreg:$0x1];
	p0 =	sne.s32 s2, $0x0  }
0x209: {  	s3 =	rddreg [dreg:$0x2];
	[bflag:$0x3] =	sbarrier.arrive $0xFFFF;
	s2 =	simm.s32 @!p0 $0x1C03  }
0x20a: {  	[timem:s3], [sflag:s2] =	dma.local @!p0 [hbm:s0], s1  }
0x20b: {  	s0 =	simm.s32 @!p0 $0x3  }
0x20c: {  	_ =	swait.ge @!p0 [sflag:s0], s1  }
0x20d: {  	s1 =	ssub.s32 @!p0 $0x0, s1;
	[sflag:s0] =	ssyncset.done @!p0 $0x0  }
0x20e: {  	[sflag:s0] =	ssyncadd.s32 @!p0 s1  }
0x20f: {  	[bflag:$0x3] =	sbarrier.arrive $0xFFFF  }
0x210: {  	_ =	shalt  }

</sc_bundles>
